<compile_context>
chip_gen: v7x
topology: tpu7x:2x2x1
jax: 0.10.2.dev20260603
libtpu: 0.0.44.dev20260713+nightly
codegen_flags: <defaults>
</compile_context>

<pallas_src>
import jax
import jax.numpy as jnp
from jax import lax
from jax.experimental import pallas as pl
from jax.experimental.pallas import tpu as pltpu
from jax.experimental.pallas import tpu_sc as plsc

N = 10000
E = 320000
WPAD = 16
NC, NS = 2, 16
NW = NC * NS
BATCH = 128
NB = 80
NBUF = 4
EPT = NB * BATCH
EPAD = NW * EPT
NPAD = N + 112
RPS = NPAD // NS

_mesh = plsc.VectorSubcoreMesh(core_axis_name="c", subcore_axis_name="s",
                               num_cores=NC, num_subcores=NS)


def _fill(ref, n, val):
    def body(i, _):
        ref[i] = jnp.full((WPAD,), val, jnp.float32)
        return 0
    lax.fori_loop(0, n, body, 0)


WDEG = 8


def _deg_body(dst_hbm, ones_hbm, zeros_hbm, out_hbm, idx_v, ones_v, acc_sh,
              sem0, sem1):
    c = lax.axis_index("c")
    s = lax.axis_index("s")
    w = c * NS + s
    cp_o = pltpu.make_async_copy(ones_hbm, ones_v, sem0)
    cp_i = pltpu.make_async_copy(dst_hbm.at[w], idx_v, sem1)
    cp_o.start()
    cp_i.start()
    pltpu.sync_copy(zeros_hbm, acc_sh.at[pl.ds(s * RPS, RPS)])
    cp_o.wait()
    cp_i.wait()
    plsc.subcore_barrier()

    def step(j, _):
        pltpu.sync_copy(ones_v, acc_sh.at[idx_v.at[j]], add=True)
        return 0
    lax.fori_loop(0, NB, step, 0)
    plsc.subcore_barrier()
    pltpu.sync_copy(acc_sh.at[pl.ds(s * RPS, RPS)],
                    out_hbm.at[c, pl.ds(s * RPS, RPS)])


_deg_kernel = pl.kernel(
    _deg_body,
    out_type=jax.ShapeDtypeStruct((NC, NPAD, WDEG), jnp.float32),
    mesh=_mesh,
    compiler_params=pltpu.CompilerParams(use_tc_tiling_on_sc=False),
    scratch_types=[
        pltpu.VMEM((NB, BATCH), jnp.int32),
        pltpu.VMEM((BATCH, WDEG), jnp.float32),
        pltpu.VMEM_SHARED((NPAD, WDEG), jnp.float32),
        pltpu.SemaphoreType.DMA,
        pltpu.SemaphoreType.DMA,
    ],
)


def _layer_body(table_hbm, src_hbm, dst_hbm, out_hbm,
                sidx_v, didx_v, rows0_v, rows1_v, rows2_v, rows3_v,
                zbuf_v, acc_sh, tbl_sh, sem0, sem1, sem2, sem3):
    c = lax.axis_index("c")
    s = lax.axis_index("s")
    w = c * NS + s
    cp_t = pltpu.make_async_copy(table_hbm.at[pl.ds(s * RPS, RPS)],
                                 tbl_sh.at[pl.ds(s * RPS, RPS)], sem0)
    cp_s = pltpu.make_async_copy(src_hbm.at[w], sidx_v, sem1)
    cp_d = pltpu.make_async_copy(dst_hbm.at[w], didx_v, sem2)
    cp_t.start()
    cp_s.start()
    cp_d.start()
    _fill(zbuf_v, RPS, 0.0)
    pltpu.sync_copy(zbuf_v, acc_sh.at[pl.ds(s * RPS, RPS)])
    cp_t.wait()
    cp_s.wait()
    cp_d.wait()
    plsc.subcore_barrier()

    bufs = (rows0_v, rows1_v, rows2_v, rows3_v)
    sems = (sem0, sem1, sem2, sem3)
    for b in range(NBUF):
        pltpu.async_copy(tbl_sh.at[sidx_v.at[b]], bufs[b], sems[b])
    dummy = table_hbm.at[pl.ds(0, BATCH)]

    def step(i, _):
        j = NBUF * i
        for b in range(NBUF):
            pltpu.make_async_copy(dummy, bufs[b], sems[b]).wait()
            pltpu.sync_copy(bufs[b], acc_sh.at[didx_v.at[j + b]], add=True)
            pltpu.async_copy(tbl_sh.at[sidx_v.at[j + NBUF + b]],
                             bufs[b], sems[b])
        return 0
    lax.fori_loop(0, NB // NBUF - 1, step, 0)

    for b in range(NBUF):
        pltpu.make_async_copy(dummy, bufs[b], sems[b]).wait()
        pltpu.sync_copy(bufs[b], acc_sh.at[didx_v.at[NB - NBUF + b]],
                        add=True)

    plsc.subcore_barrier()
    pltpu.sync_copy(acc_sh.at[pl.ds(s * RPS, RPS)],
                    out_hbm.at[c, pl.ds(s * RPS, RPS)])


_layer_kernel = pl.kernel(
    _layer_body,
    out_type=jax.ShapeDtypeStruct((NC, NPAD, WPAD), jnp.float32),
    mesh=_mesh,
    compiler_params=pltpu.CompilerParams(use_tc_tiling_on_sc=False),
    scratch_types=[
        pltpu.VMEM((NB, BATCH), jnp.int32),
        pltpu.VMEM((NB, BATCH), jnp.int32),
        pltpu.VMEM((BATCH, WPAD), jnp.float32),
        pltpu.VMEM((BATCH, WPAD), jnp.float32),
        pltpu.VMEM((BATCH, WPAD), jnp.float32),
        pltpu.VMEM((BATCH, WPAD), jnp.float32),
        pltpu.VMEM((RPS, WPAD), jnp.float32),
        pltpu.VMEM_SHARED((NPAD, WPAD), jnp.float32),
        pltpu.VMEM_SHARED((NPAD, WPAD), jnp.float32),
        pltpu.SemaphoreType.DMA,
        pltpu.SemaphoreType.DMA,
        pltpu.SemaphoreType.DMA,
        pltpu.SemaphoreType.DMA,
    ],
)


def _stage1_tc(x_ref, w1_ref, cnt_ref, y1_ref, dis_ref):
    cnt = cnt_ref[0, 0:N, 0:1] + cnt_ref[1, 0:N, 0:1]
    dis = lax.rsqrt(cnt + 1.0)
    xw = jnp.dot(x_ref[...], w1_ref[...], preferred_element_type=jnp.float32)
    y1_ref[0:N, :] = xw * dis
    y1_ref[N:NPAD, :] = jnp.zeros((NPAD - N, WPAD), jnp.float32)
    dis_ref[...] = dis


def _stage2_tc(p_ref, y1_ref, dis_ref, w2_ref, b1_ref, y2_ref):
    dis = dis_ref[...]
    agg = p_ref[0, 0:N, :] + p_ref[1, 0:N, :] + y1_ref[0:N, :]
    h = jnp.maximum(agg * dis + b1_ref[...], 0.0)
    hw = jnp.dot(h, w2_ref[...], preferred_element_type=jnp.float32)
    y2_ref[0:N, :] = hw * dis
    y2_ref[N:NPAD, :] = jnp.zeros((NPAD - N, WPAD), jnp.float32)


def _stage3_tc(q_ref, y2_ref, dis_ref, b2_ref, out_ref):
    o = (q_ref[0, 0:N, :] + q_ref[1, 0:N, :] + y2_ref[0:N, :]) * dis_ref[...] \
        + b2_ref[...]
    e = jnp.exp(o)
    denom = jnp.maximum(jnp.sum(e, axis=-1, keepdims=True), 1e-12)
    out_ref[...] = e / denom


_stage1 = pl.pallas_call(
    _stage1_tc,
    out_shape=(jax.ShapeDtypeStruct((NPAD, WPAD), jnp.float32),
               jax.ShapeDtypeStruct((N, 1), jnp.float32)),
)

_stage2 = pl.pallas_call(
    _stage2_tc,
    out_shape=jax.ShapeDtypeStruct((NPAD, WPAD), jnp.float32),
)

_stage3 = pl.pallas_call(
    _stage3_tc,
    out_shape=jax.ShapeDtypeStruct((N, WPAD), jnp.float32),
)


def kernel(x, edge_index, W1, b1, W2, b2):
    ei = edge_index.astype(jnp.int32)
    npe = EPAD - E
    pad_src = jnp.zeros((npe,), jnp.int32)
    pad_dst = N + (jnp.arange(npe, dtype=jnp.int32) % (NPAD - N))
    src = jnp.concatenate([ei[0], pad_src]).reshape(NW, NB, BATCH)
    dst = jnp.concatenate([ei[1], pad_dst]).reshape(NW, NB, BATCH)
    w1p = jnp.pad(W1, ((0, 0), (0, WPAD - W1.shape[1])))
    b1p = jnp.pad(b1, (0, WPAD - b1.shape[0])).reshape(1, WPAD)
    w2p = jnp.pad(W2, ((0, WPAD - W2.shape[0]), (0, 0)))
    b2r = b2.reshape(1, WPAD)
    ones8 = jnp.ones((BATCH, WDEG), jnp.float32)
    zeros8 = jnp.zeros((RPS, WDEG), jnp.float32)

    cnt = _deg_kernel(dst, ones8, zeros8)
    y1, dis = _stage1(x, w1p, cnt)
    p = _layer_kernel(y1, src, dst)
    y2 = _stage2(p, y1, dis, w2p, b1p)
    q = _layer_kernel(y2, src, dst)
    return _stage3(q, y2, dis, b2r)

# --- scband reference (transcript-rebuilt; emitter-appended) ---
"""Pipeline reference for scband-my-gcn-38800734552764 (READ-ONLY COPY).

The authoritative reference and input builder live on the scoring server;
editing this copy changes nothing except your own understanding.
"""

import jax, jax.numpy as jnp
import numpy as np

N_NODES = 10000
N_EDGES = 320000
N_FEAT = 128
HIDDEN = 10
N_CLUSTERS = 16


def setup_inputs(seed: int = 0) -> dict:
    key = jax.random.key(seed)
    k1, k2, k3, k4 = jax.random.split(key, 4)
    x = jax.random.normal(k1, (N_NODES, N_FEAT), dtype=jnp.float32)
    edge_index = jax.random.randint(k2, (2, N_EDGES), 0, N_NODES, dtype=jnp.int64)
    # GCNConv layer 1: n_feat -> 10 (glorot init)
    s1 = float(np.sqrt(6.0 / (N_FEAT + HIDDEN)))
    W1 = jax.random.uniform(k3, (N_FEAT, HIDDEN), dtype=jnp.float32, minval=-s1, maxval=s1)
    b1 = jnp.zeros((HIDDEN,), dtype=jnp.float32)
    # GCNConv layer 2: 10 -> n_clusters
    s2 = float(np.sqrt(6.0 / (HIDDEN + N_CLUSTERS)))
    W2 = jax.random.uniform(k4, (HIDDEN, N_CLUSTERS), dtype=jnp.float32, minval=-s2, maxval=s2)
    b2 = jnp.zeros((N_CLUSTERS,), dtype=jnp.float32)
    return {"x": x, "edge_index": edge_index, "W1": W1, "b1": b1, "W2": W2, "b2": b2}


def gcn_conv(x, src, dst, norm, W, b):
    # out = D^{-1/2} (A + I) D^{-1/2} X W + b  (PyG GCNConv semantics)
    xw = x @ W
    msg = jnp.take(xw, src, axis=0) * norm[:, None]
    out = jnp.zeros((x.shape[0], W.shape[1]), dtype=xw.dtype).at[dst].add(msg)
    return out + b


def reference(x, edge_index, W1, b1, W2, b2):
    N = x.shape[0]
    loop = jnp.arange(N, dtype=edge_index.dtype)
    src = jnp.concatenate([edge_index[0], loop])
    dst = jnp.concatenate([edge_index[1], loop])
    # symmetric normalization with unit edge weights (computed on dst / col)
    deg = jnp.zeros((N,), dtype=jnp.float32).at[dst].add(1.0)
    deg_inv_sqrt = jnp.where(deg > 0, deg ** -0.5, 0.0)
    norm = deg_inv_sqrt[src] * deg_inv_sqrt[dst]
    h = gcn_conv(x, src, dst, norm, W1, b1)
    h = jax.nn.relu(h)
    out = gcn_conv(h, src, dst, norm, W2, b2)
    e = jnp.exp(out)
    # F.normalize(e, p=1, dim=-1)
    denom = jnp.maximum(jnp.sum(jnp.abs(e), axis=-1, keepdims=True), 1e-12)
    return e / denom

if __name__ == "__main__":
    import jax
    _d = setup_inputs()
    print(jax.jit(kernel)(*tuple(_d.values())))

</pallas_src>

<mosaic_0001>
#map = affine_map<(d0, d1) -> (0, 0)>
#map1 = affine_map<(d0, d1) -> (0, 0, 0)>
module attributes {stable_mosaic.version = 14 : i64} {
  func.func @_layer_body(%arg0: i32, %arg1: i32, %arg2: memref<10112x16xf32, #tpu.memory_space<hbm>>, %arg3: memref<32x80x128xi32, #tpu.memory_space<hbm>>, %arg4: memref<32x80x128xi32, #tpu.memory_space<hbm>>, %arg5: memref<2x10112x16xf32, #tpu.memory_space<hbm>>, %arg6: memref<80x128xi32, #tpu.memory_space<vmem>>, %arg7: memref<80x128xi32, #tpu.memory_space<vmem>>, %arg8: memref<128x16xf32, #tpu.memory_space<vmem>>, %arg9: memref<128x16xf32, #tpu.memory_space<vmem>>, %arg10: memref<128x16xf32, #tpu.memory_space<vmem>>, %arg11: memref<128x16xf32, #tpu.memory_space<vmem>>, %arg12: memref<632x16xf32, #tpu.memory_space<vmem>>, %arg13: memref<10112x16xf32, #tpu.memory_space<vmem_shared>>, %arg14: memref<10112x16xf32, #tpu.memory_space<vmem_shared>>, %arg15: memref<!tpu.dma_semaphore, #tpu.memory_space<semaphore_mem>>, %arg16: memref<!tpu.dma_semaphore, #tpu.memory_space<semaphore_mem>>, %arg17: memref<!tpu.dma_semaphore, #tpu.memory_space<semaphore_mem>>, %arg18: memref<!tpu.dma_semaphore, #tpu.memory_space<semaphore_mem>>) attributes {dimension_semantics = [#tpu.dimension_semantics<core_parallel>, #tpu.dimension_semantics<subcore_parallel>], iteration_bounds = array<i64: 2, 16>, scalar_prefetch = 0 : i64, scratch_operands = 13 : i64, tpu.core_type = #tpu.core_type<sc_vector_subcore>, window_params = [{transform_indices = #map}, {transform_indices = #map1}, {transform_indices = #map1}, {transform_indices = #map1}]} {
    %mul3A = arith.constant 16 : i32
    %mul3A_0 = arith.muli %arg0, %mul3A : i32
    %add3A = arith.addi %mul3A_0, %arg1 : i32
    %mul3A_1 = arith.constant 632 : i32
    %mul3A_2 = arith.muli %arg1, %mul3A_1 : i32
    %mul3A_3 = arith.constant 632 : i32
    %mul3A_4 = arith.muli %arg1, %mul3A_3 : i32
    %dma_start3A = arith.constant 0 : i32
    %dma_start3A_5 = tpu.memref_slice %arg14[%mul3A_4, %dma_start3A] : memref<10112x16xf32, #tpu.memory_space<vmem_shared>> -> memref<632x16xf32, #tpu.memory_space<vmem_shared>>
    %dma_start3A_6 = arith.constant 0 : i32
    %dma_start3A_7 = tpu.memref_slice %arg2[%mul3A_2, %dma_start3A_6] : memref<10112x16xf32, #tpu.memory_space<hbm>> -> memref<632x16xf32, #tpu.memory_space<hbm>>
    tpu.enqueue_dma source(%dma_start3A_7 : memref<632x16xf32, #tpu.memory_space<hbm>>) target(%dma_start3A_5 : memref<632x16xf32, #tpu.memory_space<vmem_shared>>) target_semaphore(%arg15 : memref<!tpu.dma_semaphore, #tpu.memory_space<semaphore_mem>>)
    %dma_start3A_8 = arith.constant 0 : i32
    %dma_start3A_9 = arith.constant 0 : i32
    %dma_start3A_10 = tpu.memref_slice %arg3[%add3A, %dma_start3A_8, %dma_start3A_9] : memref<32x80x128xi32, #tpu.memory_space<hbm>> -> memref<1x80x128xi32, #tpu.memory_space<hbm>>
    %dma_start3A_11 = tpu.memref_squeeze %dma_start3A_10 : memref<1x80x128xi32, #tpu.memory_space<hbm>> -> memref<80x128xi32, #tpu.memory_space<hbm>>
    %dma_start3A_12 = arith.constant 0 : i32
    %dma_start3A_13 = arith.constant 0 : i32
    %dma_start3A_14 = tpu.memref_slice %arg3[%add3A, %dma_start3A_12, %dma_start3A_13] : memref<32x80x128xi32, #tpu.memory_space<hbm>> -> memref<1x80x128xi32, #tpu.memory_space<hbm>>
    %dma_start3A_15 = tpu.memref_squeeze %dma_start3A_14 : memref<1x80x128xi32, #tpu.memory_space<hbm>> -> memref<80x128xi32, #tpu.memory_space<hbm>>
    tpu.enqueue_dma source(%dma_start3A_15 : memref<80x128xi32, #tpu.memory_space<hbm>>) target(%arg6 : memref<80x128xi32, #tpu.memory_space<vmem>>) target_semaphore(%arg16 : memref<!tpu.dma_semaphore, #tpu.memory_space<semaphore_mem>>)
    %dma_start3A_16 = arith.constant 0 : i32
    %dma_start3A_17 = arith.constant 0 : i32
    %dma_start3A_18 = tpu.memref_slice %arg4[%add3A, %dma_start3A_16, %dma_start3A_17] : memref<32x80x128xi32, #tpu.memory_space<hbm>> -> memref<1x80x128xi32, #tpu.memory_space<hbm>>
    %dma_start3A_19 = tpu.memref_squeeze %dma_start3A_18 : memref<1x80x128xi32, #tpu.memory_space<hbm>> -> memref<80x128xi32, #tpu.memory_space<hbm>>
    %dma_start3A_20 = arith.constant 0 : i32
    %dma_start3A_21 = arith.constant 0 : i32
    %dma_start3A_22 = tpu.memref_slice %arg4[%add3A, %dma_start3A_20, %dma_start3A_21] : memref<32x80x128xi32, #tpu.memory_space<hbm>> -> memref<1x80x128xi32, #tpu.memory_space<hbm>>
    %dma_start3A_23 = tpu.memref_squeeze %dma_start3A_22 : memref<1x80x128xi32, #tpu.memory_space<hbm>> -> memref<80x128xi32, #tpu.memory_space<hbm>>
    tpu.enqueue_dma source(%dma_start3A_23 : memref<80x128xi32, #tpu.memory_space<hbm>>) target(%arg7 : memref<80x128xi32, #tpu.memory_space<vmem>>) target_semaphore(%arg17 : memref<!tpu.dma_semaphore, #tpu.memory_space<semaphore_mem>>)
    %scan3A = arith.constant 0 : i32
    %scan3A_24 = arith.constant 0 : i32
    %scan3A_25 = arith.constant 632 : i32
    %scan3A_26 = arith.addi %scan3A_24, %scan3A_25 : i32
    %scan3A_27 = arith.constant 1 : i32
    %scan3A_28 = scf.for %scan3A_118 = %scan3A_24 to %scan3A_26 step %scan3A_27 iter_args(%scan3A_119 = %scan3A) -> (i32)  : i32 {
      %broadcast_in_dim3A = arith.constant 0.000000e+00 : f32
      %broadcast_in_dim3A_120 = vector.broadcast %broadcast_in_dim3A : f32 to vector<16xf32>
      %swap3A = arith.index_cast %scan3A_118 : i32 to index
      %swap3A_121 = arith.constant 0 : index
      %swap3A_122 = tpu.vector_load %arg12[%swap3A, %swap3A_121] {strides = array<i32>} : memref<632x16xf32, #tpu.memory_space<vmem>>, vector<1x16xf32>,
      %swap3A_123 = vector.shape_cast %swap3A_122 : vector<1x16xf32> to vector<16xf32>
      %swap3A_124 = vector.shape_cast %broadcast_in_dim3A_120 : vector<16xf32> to vector<1x16xf32>
      tpu.vector_store %arg12[%swap3A, %swap3A_121], %swap3A_124 {strides = array<i32>} : memref<632x16xf32, #tpu.memory_space<vmem>>, vector<1x16xf32>,
      %scan3A_125 = arith.constant 0 : i32
      scf.yield %scan3A_125 : i32
    }
    %scan3A_29 = arith.constant 632 : i32
    %mul3A_30 = arith.constant 632 : i32
    %mul3A_31 = arith.muli %arg1, %mul3A_30 : i32
    "tpu.region"() ({
      %run_scoped3A_118 = tpu.sem_alloc : memref<!tpu.dma_semaphore, #tpu.memory_space<semaphore_mem>>
      %dma_start3A_119 = arith.constant 0 : i32
      %dma_start3A_120 = tpu.memref_slice %arg13[%mul3A_31, %dma_start3A_119] : memref<10112x16xf32, #tpu.memory_space<vmem_shared>> -> memref<632x16xf32, #tpu.memory_space<vmem_shared>>
      %dma_start3A_121 = arith.constant 0 : i32
      %dma_start3A_122 = tpu.memref_slice %arg13[%mul3A_31, %dma_start3A_121] : memref<10112x16xf32, #tpu.memory_space<vmem_shared>> -> memref<632x16xf32, #tpu.memory_space<vmem_shared>>
      tpu.enqueue_dma source(%arg12 : memref<632x16xf32, #tpu.memory_space<vmem>>) target(%dma_start3A_122 : memref<632x16xf32, #tpu.memory_space<vmem_shared>>) target_semaphore(%run_scoped3A_118 : memref<!tpu.dma_semaphore, #tpu.memory_space<semaphore_mem>>)
      %dma_wait3A_123 = arith.constant 0 : i32
      %dma_wait3A_124 = tpu.memref_slice %arg13[%mul3A_31, %dma_wait3A_123] : memref<10112x16xf32, #tpu.memory_space<vmem_shared>> -> memref<632x16xf32, #tpu.memory_space<vmem_shared>>
      %dma_wait3A_125 = arith.constant 0 : i32
      %dma_wait3A_126 = tpu.memref_slice %arg13[%mul3A_31, %dma_wait3A_125] : memref<10112x16xf32, #tpu.memory_space<vmem_shared>> -> memref<632x16xf32, #tpu.memory_space<vmem_shared>>
      tpu.wait_dma2 semaphore(%run_scoped3A_118 : memref<!tpu.dma_semaphore, #tpu.memory_space<semaphore_mem>>) src(%arg12 : memref<632x16xf32, #tpu.memory_space<vmem>>) dst(%dma_wait3A_126 : memref<632x16xf32, #tpu.memory_space<vmem_shared>>)
      tpu.yield
    }) : () -> ()
    %dma_wait3A = arith.constant 0 : i32
    %dma_wait3A_32 = tpu.memref_slice %arg14[%mul3A_4, %dma_wait3A] : memref<10112x16xf32, #tpu.memory_space<vmem_shared>> -> memref<632x16xf32, #tpu.memory_space<vmem_shared>>
    %dma_wait3A_33 = arith.constant 0 : i32
    %dma_wait3A_34 = tpu.memref_slice %arg2[%mul3A_2, %dma_wait3A_33] : memref<10112x16xf32, #tpu.memory_space<hbm>> -> memref<632x16xf32, #tpu.memory_space<hbm>>
    tpu.wait_dma2 semaphore(%arg15 : memref<!tpu.dma_semaphore, #tpu.memory_space<semaphore_mem>>) src(%dma_wait3A_34 : memref<632x16xf32, #tpu.memory_space<hbm>>) dst(%dma_wait3A_32 : memref<632x16xf32, #tpu.memory_space<vmem_shared>>)
    %dma_wait3A_35 = arith.constant 0 : i32
    %dma_wait3A_36 = arith.constant 0 : i32
    %dma_wait3A_37 = tpu.memref_slice %arg3[%add3A, %dma_wait3A_35, %dma_wait3A_36] : memref<32x80x128xi32, #tpu.memory_space<hbm>> -> memref<1x80x128xi32, #tpu.memory_space<hbm>>
    %dma_wait3A_38 = tpu.memref_squeeze %dma_wait3A_37 : memref<1x80x128xi32, #tpu.memory_space<hbm>> -> memref<80x128xi32, #tpu.memory_space<hbm>>
    %dma_wait3A_39 = arith.constant 0 : i32
    %dma_wait3A_40 = arith.constant 0 : i32
    %dma_wait3A_41 = tpu.memref_slice %arg3[%add3A, %dma_wait3A_39, %dma_wait3A_40] : memref<32x80x128xi32, #tpu.memory_space<hbm>> -> memref<1x80x128xi32, #tpu.memory_space<hbm>>
    %dma_wait3A_42 = tpu.memref_squeeze %dma_wait3A_41 : memref<1x80x128xi32, #tpu.memory_space<hbm>> -> memref<80x128xi32, #tpu.memory_space<hbm>>
    tpu.wait_dma2 semaphore(%arg16 : memref<!tpu.dma_semaphore, #tpu.memory_space<semaphore_mem>>) src(%dma_wait3A_42 : memref<80x128xi32, #tpu.memory_space<hbm>>) dst(%arg6 : memref<80x128xi32, #tpu.memory_space<vmem>>)
    %dma_wait3A_43 = arith.constant 0 : i32
    %dma_wait3A_44 = arith.constant 0 : i32
    %dma_wait3A_45 = tpu.memref_slice %arg4[%add3A, %dma_wait3A_43, %dma_wait3A_44] : memref<32x80x128xi32, #tpu.memory_space<hbm>> -> memref<1x80x128xi32, #tpu.memory_space<hbm>>
    %dma_wait3A_46 = tpu.memref_squeeze %dma_wait3A_45 : memref<1x80x128xi32, #tpu.memory_space<hbm>> -> memref<80x128xi32, #tpu.memory_space<hbm>>
    %dma_wait3A_47 = arith.constant 0 : i32
    %dma_wait3A_48 = arith.constant 0 : i32
    %dma_wait3A_49 = tpu.memref_slice %arg4[%add3A, %dma_wait3A_47, %dma_wait3A_48] : memref<32x80x128xi32, #tpu.memory_space<hbm>> -> memref<1x80x128xi32, #tpu.memory_space<hbm>>
    %dma_wait3A_50 = tpu.memref_squeeze %dma_wait3A_49 : memref<1x80x128xi32, #tpu.memory_space<hbm>> -> memref<80x128xi32, #tpu.memory_space<hbm>>
    tpu.wait_dma2 semaphore(%arg17 : memref<!tpu.dma_semaphore, #tpu.memory_space<semaphore_mem>>) src(%dma_wait3A_50 : memref<80x128xi32, #tpu.memory_space<hbm>>) dst(%arg7 : memref<80x128xi32, #tpu.memory_space<vmem>>)
    %barrier3A = arith.constant 0 : index
    tpu.barrier barrier_id(%barrier3A)
    %dma_start3A_51 = arith.constant 0 : i32
    %dma_start3A_52 = arith.constant 0 : i32
    %dma_start3A_53 = tpu.memref_slice %arg6[%dma_start3A_51, %dma_start3A_52] : memref<80x128xi32, #tpu.memory_space<vmem>> -> memref<1x128xi32, #tpu.memory_space<vmem>>
    %dma_start3A_54 = tpu.memref_squeeze %dma_start3A_53 : memref<1x128xi32, #tpu.memory_space<vmem>> -> memref<128xi32, #tpu.memory_space<vmem>>
    %dma_start3A_55 = arith.constant 0 : i32
    %dma_start3A_56 = arith.constant 0 : i32
    %dma_start3A_57 = tpu.memref_slice %arg14[%dma_start3A_55, %dma_start3A_56] : memref<10112x16xf32, #tpu.memory_space<vmem_shared>> -> memref<10112x16xf32, #tpu.memory_space<vmem_shared>>
    tpu.enqueue_indirect_dma source(%dma_start3A_57 : memref<10112x16xf32, #tpu.memory_space<vmem_shared>>) target(%arg8 : memref<128x16xf32, #tpu.memory_space<vmem>>) offsets(%dma_start3A_54 : memref<128xi32, #tpu.memory_space<vmem>>) semaphore(%arg15 : memref<!tpu.dma_semaphore, #tpu.memory_space<semaphore_mem>>)
    %dma_start3A_58 = arith.constant 1 : i32
    %dma_start3A_59 = arith.constant 0 : i32
    %dma_start3A_60 = tpu.memref_slice %arg6[%dma_start3A_58, %dma_start3A_59] : memref<80x128xi32, #tpu.memory_space<vmem>> -> memref<1x128xi32, #tpu.memory_space<vmem>>
    %dma_start3A_61 = tpu.memref_squeeze %dma_start3A_60 : memref<1x128xi32, #tpu.memory_space<vmem>> -> memref<128xi32, #tpu.memory_space<vmem>>
    %dma_start3A_62 = arith.constant 0 : i32
    %dma_start3A_63 = arith.constant 0 : i32
    %dma_start3A_64 = tpu.memref_slice %arg14[%dma_start3A_62, %dma_start3A_63] : memref<10112x16xf32, #tpu.memory_space<vmem_shared>> -> memref<10112x16xf32, #tpu.memory_space<vmem_shared>>
    tpu.enqueue_indirect_dma source(%dma_start3A_64 : memref<10112x16xf32, #tpu.memory_space<vmem_shared>>) target(%arg9 : memref<128x16xf32, #tpu.memory_space<vmem>>) offsets(%dma_start3A_61 : memref<128xi32, #tpu.memory_space<vmem>>) semaphore(%arg16 : memref<!tpu.dma_semaphore, #tpu.memory_space<semaphore_mem>>)
    %dma_start3A_65 = arith.constant 2 : i32
    %dma_start3A_66 = arith.constant 0 : i32
    %dma_start3A_67 = tpu.memref_slice %arg6[%dma_start3A_65, %dma_start3A_66] : memref<80x128xi32, #tpu.memory_space<vmem>> -> memref<1x128xi32, #tpu.memory_space<vmem>>
    %dma_start3A_68 = tpu.memref_squeeze %dma_start3A_67 : memref<1x128xi32, #tpu.memory_space<vmem>> -> memref<128xi32, #tpu.memory_space<vmem>>
    %dma_start3A_69 = arith.constant 0 : i32
    %dma_start3A_70 = arith.constant 0 : i32
    %dma_start3A_71 = tpu.memref_slice %arg14[%dma_start3A_69, %dma_start3A_70] : memref<10112x16xf32, #tpu.memory_space<vmem_shared>> -> memref<10112x16xf32, #tpu.memory_space<vmem_shared>>
    tpu.enqueue_indirect_dma source(%dma_start3A_71 : memref<10112x16xf32, #tpu.memory_space<vmem_shared>>) target(%arg10 : memref<128x16xf32, #tpu.memory_space<vmem>>) offsets(%dma_start3A_68 : memref<128xi32, #tpu.memory_space<vmem>>) semaphore(%arg17 : memref<!tpu.dma_semaphore, #tpu.memory_space<semaphore_mem>>)
    %dma_start3A_72 = arith.constant 3 : i32
    %dma_start3A_73 = arith.constant 0 : i32
    %dma_start3A_74 = tpu.memref_slice %arg6[%dma_start3A_72, %dma_start3A_73] : memref<80x128xi32, #tpu.memory_space<vmem>> -> memref<1x128xi32, #tpu.memory_space<vmem>>
    %dma_start3A_75 = tpu.memref_squeeze %dma_start3A_74 : memref<1x128xi32, #tpu.memory_space<vmem>> -> memref<128xi32, #tpu.memory_space<vmem>>
    %dma_start3A_76 = arith.constant 0 : i32
    %dma_start3A_77 = arith.constant 0 : i32
    %dma_start3A_78 = tpu.memref_slice %arg14[%dma_start3A_76, %dma_start3A_77] : memref<10112x16xf32, #tpu.memory_space<vmem_shared>> -> memref<10112x16xf32, #tpu.memory_space<vmem_shared>>
    tpu.enqueue_indirect_dma source(%dma_start3A_78 : memref<10112x16xf32, #tpu.memory_space<vmem_shared>>) target(%arg11 : memref<128x16xf32, #tpu.memory_space<vmem>>) offsets(%dma_start3A_75 : memref<128xi32, #tpu.memory_space<vmem>>) semaphore(%arg18 : memref<!tpu.dma_semaphore, #tpu.memory_space<semaphore_mem>>)
    %scan3A_79 = arith.constant 0 : i32
    %scan3A_80 = arith.constant 0 : i32
    %scan3A_81 = arith.constant 19 : i32
    %scan3A_82 = arith.addi %scan3A_80, %scan3A_81 : i32
    %scan3A_83 = arith.constant 1 : i32
    %scan3A_84 = scf.for %scan3A_118 = %scan3A_80 to %scan3A_82 step %scan3A_83 iter_args(%scan3A_119 = %scan3A_79) -> (i32)  : i32 {
      %mul3A_120 = arith.constant 4 : i32
      %mul3A_121 = arith.muli %mul3A_120, %scan3A_118 : i32
      %dma_wait3A_122 = arith.constant 0 : i32
      %dma_wait3A_123 = arith.constant 0 : i32
      %dma_wait3A_124 = tpu.memref_slice %arg2[%dma_wait3A_122, %dma_wait3A_123] : memref<10112x16xf32, #tpu.memory_space<hbm>> -> memref<128x16xf32, #tpu.memory_space<hbm>>
      %dma_wait3A_125 = arith.constant 0 : i32
      %dma_wait3A_126 = arith.constant 0 : i32
      %dma_wait3A_127 = tpu.memref_slice %arg2[%dma_wait3A_125, %dma_wait3A_126] : memref<10112x16xf32, #tpu.memory_space<hbm>> -> memref<128x16xf32, #tpu.memory_space<hbm>>
      tpu.wait_dma2 semaphore(%arg15 : memref<!tpu.dma_semaphore, #tpu.memory_space<semaphore_mem>>) src(%dma_wait3A_127 : memref<128x16xf32, #tpu.memory_space<hbm>>) dst(%arg8 : memref<128x16xf32, #tpu.memory_space<vmem>>)
      %add3A_128 = arith.constant 0 : i32
      %add3A_129 = arith.addi %mul3A_121, %add3A_128 : i32
      "tpu.region"() ({
        %run_scoped3A_195 = tpu.sem_alloc : memref<!tpu.dma_semaphore, #tpu.memory_space<semaphore_mem>>
        %dma_start3A_196 = arith.constant 0 : i32
        %dma_start3A_197 = tpu.memref_slice %arg7[%add3A_129, %dma_start3A_196] : memref<80x128xi32, #tpu.memory_space<vmem>> -> memref<1x128xi32, #tpu.memory_space<vmem>>
        %dma_start3A_198 = tpu.memref_squeeze %dma_start3A_197 : memref<1x128xi32, #tpu.memory_space<vmem>> -> memref<128xi32, #tpu.memory_space<vmem>>
        %dma_start3A_199 = arith.constant 0 : i32
        %dma_start3A_200 = arith.constant 0 : i32
        %dma_start3A_201 = tpu.memref_slice %arg13[%dma_start3A_199, %dma_start3A_200] : memref<10112x16xf32, #tpu.memory_space<vmem_shared>> -> memref<10112x16xf32, #tpu.memory_space<vmem_shared>>
        tpu.enqueue_indirect_dma source(%arg8 : memref<128x16xf32, #tpu.memory_space<vmem>>) target(%dma_start3A_201 : memref<10112x16xf32, #tpu.memory_space<vmem_shared>>) offsets(%dma_start3A_198 : memref<128xi32, #tpu.memory_space<vmem>>) semaphore(%run_scoped3A_195 : memref<!tpu.dma_semaphore, #tpu.memory_space<semaphore_mem>>) {add = true}
        %dma_wait3A_202 = arith.constant 0 : i32
        %dma_wait3A_203 = tpu.memref_slice %arg7[%add3A_129, %dma_wait3A_202] : memref<80x128xi32, #tpu.memory_space<vmem>> -> memref<1x128xi32, #tpu.memory_space<vmem>>
        %dma_wait3A_204 = tpu.memref_squeeze %dma_wait3A_203 : memref<1x128xi32, #tpu.memory_space<vmem>> -> memref<128xi32, #tpu.memory_space<vmem>>
        %dma_wait3A_205 = arith.constant 0 : i32
        %dma_wait3A_206 = arith.constant 0 : i32
        %dma_wait3A_207 = tpu.memref_slice %arg13[%dma_wait3A_205, %dma_wait3A_206] : memref<10112x16xf32, #tpu.memory_space<vmem_shared>> -> memref<10112x16xf32, #tpu.memory_space<vmem_shared>>
        tpu.wait_indirect_dma semaphore(%run_scoped3A_195 : memref<!tpu.dma_semaphore, #tpu.memory_space<semaphore_mem>>) src(%arg8 : memref<128x16xf32, #tpu.memory_space<vmem>>) dst(%dma_wait3A_207 : memref<10112x16xf32, #tpu.memory_space<vmem_shared>>)
        tpu.yield
      }) : () -> ()
      %add3A_130 = arith.constant 4 : i32
      %add3A_131 = arith.addi %mul3A_121, %add3A_130 : i32
      %add3A_132 = arith.constant 0 : i32
      %add3A_133 = arith.addi %add3A_131, %add3A_132 : i32
      %dma_start3A_134 = arith.constant 0 : i32
      %dma_start3A_135 = tpu.memref_slice %arg6[%add3A_133, %dma_start3A_134] : memref<80x128xi32, #tpu.memory_space<vmem>> -> memref<1x128xi32, #tpu.memory_space<vmem>>
      %dma_start3A_136 = tpu.memref_squeeze %dma_start3A_135 : memref<1x128xi32, #tpu.memory_space<vmem>> -> memref<128xi32, #tpu.memory_space<vmem>>
      %dma_start3A_137 = arith.constant 0 : i32
      %dma_start3A_138 = arith.constant 0 : i32
      %dma_start3A_139 = tpu.memref_slice %arg14[%dma_start3A_137, %dma_start3A_138] : memref<10112x16xf32, #tpu.memory_space<vmem_shared>> -> memref<10112x16xf32, #tpu.memory_space<vmem_shared>>
      tpu.enqueue_indirect_dma source(%dma_start3A_139 : memref<10112x16xf32, #tpu.memory_space<vmem_shared>>) target(%arg8 : memref<128x16xf32, #tpu.memory_space<vmem>>) offsets(%dma_start3A_136 : memref<128xi32, #tpu.memory_space<vmem>>) semaphore(%arg15 : memref<!tpu.dma_semaphore, #tpu.memory_space<semaphore_mem>>)
      %dma_wait3A_140 = arith.constant 0 : i32
      %dma_wait3A_141 = arith.constant 0 : i32
      %dma_wait3A_142 = tpu.memref_slice %arg2[%dma_wait3A_140, %dma_wait3A_141] : memref<10112x16xf32, #tpu.memory_space<hbm>> -> memref<128x16xf32, #tpu.memory_space<hbm>>
      %dma_wait3A_143 = arith.constant 0 : i32
      %dma_wait3A_144 = arith.constant 0 : i32
      %dma_wait3A_145 = tpu.memref_slice %arg2[%dma_wait3A_143, %dma_wait3A_144] : memref<10112x16xf32, #tpu.memory_space<hbm>> -> memref<128x16xf32, #tpu.memory_space<hbm>>
      tpu.wait_dma2 semaphore(%arg16 : memref<!tpu.dma_semaphore, #tpu.memory_space<semaphore_mem>>) src(%dma_wait3A_145 : memref<128x16xf32, #tpu.memory_space<hbm>>) dst(%arg9 : memref<128x16xf32, #tpu.memory_space<vmem>>)
      %add3A_146 = arith.constant 1 : i32
      %add3A_147 = arith.addi %mul3A_121, %add3A_146 : i32
      "tpu.region"() ({
        %run_scoped3A_195 = tpu.sem_alloc : memref<!tpu.dma_semaphore, #tpu.memory_space<semaphore_mem>>
        %dma_start3A_196 = arith.constant 0 : i32
        %dma_start3A_197 = tpu.memref_slice %arg7[%add3A_147, %dma_start3A_196] : memref<80x128xi32, #tpu.memory_space<vmem>> -> memref<1x128xi32, #tpu.memory_space<vmem>>
        %dma_start3A_198 = tpu.memref_squeeze %dma_start3A_197 : memref<1x128xi32, #tpu.memory_space<vmem>> -> memref<128xi32, #tpu.memory_space<vmem>>
        %dma_start3A_199 = arith.constant 0 : i32
        %dma_start3A_200 = arith.constant 0 : i32
        %dma_start3A_201 = tpu.memref_slice %arg13[%dma_start3A_199, %dma_start3A_200] : memref<10112x16xf32, #tpu.memory_space<vmem_shared>> -> memref<10112x16xf32, #tpu.memory_space<vmem_shared>>
        tpu.enqueue_indirect_dma source(%arg9 : memref<128x16xf32, #tpu.memory_space<vmem>>) target(%dma_start3A_201 : memref<10112x16xf32, #tpu.memory_space<vmem_shared>>) offsets(%dma_start3A_198 : memref<128xi32, #tpu.memory_space<vmem>>) semaphore(%run_scoped3A_195 : memref<!tpu.dma_semaphore, #tpu.memory_space<semaphore_mem>>) {add = true}
        %dma_wait3A_202 = arith.constant 0 : i32
        %dma_wait3A_203 = tpu.memref_slice %arg7[%add3A_147, %dma_wait3A_202] : memref<80x128xi32, #tpu.memory_space<vmem>> -> memref<1x128xi32, #tpu.memory_space<vmem>>
        %dma_wait3A_204 = tpu.memref_squeeze %dma_wait3A_203 : memref<1x128xi32, #tpu.memory_space<vmem>> -> memref<128xi32, #tpu.memory_space<vmem>>
        %dma_wait3A_205 = arith.constant 0 : i32
        %dma_wait3A_206 = arith.constant 0 : i32
        %dma_wait3A_207 = tpu.memref_slice %arg13[%dma_wait3A_205, %dma_wait3A_206] : memref<10112x16xf32, #tpu.memory_space<vmem_shared>> -> memref<10112x16xf32, #tpu.memory_space<vmem_shared>>
        tpu.wait_indirect_dma semaphore(%run_scoped3A_195 : memref<!tpu.dma_semaphore, #tpu.memory_space<semaphore_mem>>) src(%arg9 : memref<128x16xf32, #tpu.memory_space<vmem>>) dst(%dma_wait3A_207 : memref<10112x16xf32, #tpu.memory_space<vmem_shared>>)
        tpu.yield
      }) : () -> ()
      %add3A_148 = arith.constant 4 : i32
      %add3A_149 = arith.addi %mul3A_121, %add3A_148 : i32
      %add3A_150 = arith.constant 1 : i32
      %add3A_151 = arith.addi %add3A_149, %add3A_150 : i32
      %dma_start3A_152 = arith.constant 0 : i32
      %dma_start3A_153 = tpu.memref_slice %arg6[%add3A_151, %dma_start3A_152] : memref<80x128xi32, #tpu.memory_space<vmem>> -> memref<1x128xi32, #tpu.memory_space<vmem>>
      %dma_start3A_154 = tpu.memref_squeeze %dma_start3A_153 : memref<1x128xi32, #tpu.memory_space<vmem>> -> memref<128xi32, #tpu.memory_space<vmem>>
      %dma_start3A_155 = arith.constant 0 : i32
      %dma_start3A_156 = arith.constant 0 : i32
      %dma_start3A_157 = tpu.memref_slice %arg14[%dma_start3A_155, %dma_start3A_156] : memref<10112x16xf32, #tpu.memory_space<vmem_shared>> -> memref<10112x16xf32, #tpu.memory_space<vmem_shared>>
      tpu.enqueue_indirect_dma source(%dma_start3A_157 : memref<10112x16xf32, #tpu.memory_space<vmem_shared>>) target(%arg9 : memref<128x16xf32, #tpu.memory_space<vmem>>) offsets(%dma_start3A_154 : memref<128xi32, #tpu.memory_space<vmem>>) semaphore(%arg16 : memref<!tpu.dma_semaphore, #tpu.memory_space<semaphore_mem>>)
      %dma_wait3A_158 = arith.constant 0 : i32
      %dma_wait3A_159 = arith.constant 0 : i32
      %dma_wait3A_160 = tpu.memref_slice %arg2[%dma_wait3A_158, %dma_wait3A_159] : memref<10112x16xf32, #tpu.memory_space<hbm>> -> memref<128x16xf32, #tpu.memory_space<hbm>>
      %dma_wait3A_161 = arith.constant 0 : i32
      %dma_wait3A_162 = arith.constant 0 : i32
      %dma_wait3A_163 = tpu.memref_slice %arg2[%dma_wait3A_161, %dma_wait3A_162] : memref<10112x16xf32, #tpu.memory_space<hbm>> -> memref<128x16xf32, #tpu.memory_space<hbm>>
      tpu.wait_dma2 semaphore(%arg17 : memref<!tpu.dma_semaphore, #tpu.memory_space<semaphore_mem>>) src(%dma_wait3A_163 : memref<128x16xf32, #tpu.memory_space<hbm>>) dst(%arg10 : memref<128x16xf32, #tpu.memory_space<vmem>>)
      %add3A_164 = arith.constant 2 : i32
      %add3A_165 = arith.addi %mul3A_121, %add3A_164 : i32
      "tpu.region"() ({
        %run_scoped3A_195 = tpu.sem_alloc : memref<!tpu.dma_semaphore, #tpu.memory_space<semaphore_mem>>
        %dma_start3A_196 = arith.constant 0 : i32
        %dma_start3A_197 = tpu.memref_slice %arg7[%add3A_165, %dma_start3A_196] : memref<80x128xi32, #tpu.memory_space<vmem>> -> memref<1x128xi32, #tpu.memory_space<vmem>>
        %dma_start3A_198 = tpu.memref_squeeze %dma_start3A_197 : memref<1x128xi32, #tpu.memory_space<vmem>> -> memref<128xi32, #tpu.memory_space<vmem>>
        %dma_start3A_199 = arith.constant 0 : i32
        %dma_start3A_200 = arith.constant 0 : i32
        %dma_start3A_201 = tpu.memref_slice %arg13[%dma_start3A_199, %dma_start3A_200] : memref<10112x16xf32, #tpu.memory_space<vmem_shared>> -> memref<10112x16xf32, #tpu.memory_space<vmem_shared>>
        tpu.enqueue_indirect_dma source(%arg10 : memref<128x16xf32, #tpu.memory_space<vmem>>) target(%dma_start3A_201 : memref<10112x16xf32, #tpu.memory_space<vmem_shared>>) offsets(%dma_start3A_198 : memref<128xi32, #tpu.memory_space<vmem>>) semaphore(%run_scoped3A_195 : memref<!tpu.dma_semaphore, #tpu.memory_space<semaphore_mem>>) {add = true}
        %dma_wait3A_202 = arith.constant 0 : i32
        %dma_wait3A_203 = tpu.memref_slice %arg7[%add3A_165, %dma_wait3A_202] : memref<80x128xi32, #tpu.memory_space<vmem>> -> memref<1x128xi32, #tpu.memory_space<vmem>>
        %dma_wait3A_204 = tpu.memref_squeeze %dma_wait3A_203 : memref<1x128xi32, #tpu.memory_space<vmem>> -> memref<128xi32, #tpu.memory_space<vmem>>
        %dma_wait3A_205 = arith.constant 0 : i32
        %dma_wait3A_206 = arith.constant 0 : i32
        %dma_wait3A_207 = tpu.memref_slice %arg13[%dma_wait3A_205, %dma_wait3A_206] : memref<10112x16xf32, #tpu.memory_space<vmem_shared>> -> memref<10112x16xf32, #tpu.memory_space<vmem_shared>>
        tpu.wait_indirect_dma semaphore(%run_scoped3A_195 : memref<!tpu.dma_semaphore, #tpu.memory_space<semaphore_mem>>) src(%arg10 : memref<128x16xf32, #tpu.memory_space<vmem>>) dst(%dma_wait3A_207 : memref<10112x16xf32, #tpu.memory_space<vmem_shared>>)
        tpu.yield
      }) : () -> ()
      %add3A_166 = arith.constant 4 : i32
      %add3A_167 = arith.addi %mul3A_121, %add3A_166 : i32
      %add3A_168 = arith.constant 2 : i32
      %add3A_169 = arith.addi %add3A_167, %add3A_168 : i32
      %dma_start3A_170 = arith.constant 0 : i32
      %dma_start3A_171 = tpu.memref_slice %arg6[%add3A_169, %dma_start3A_170] : memref<80x128xi32, #tpu.memory_space<vmem>> -> memref<1x128xi32, #tpu.memory_space<vmem>>
      %dma_start3A_172 = tpu.memref_squeeze %dma_start3A_171 : memref<1x128xi32, #tpu.memory_space<vmem>> -> memref<128xi32, #tpu.memory_space<vmem>>
      %dma_start3A_173 = arith.constant 0 : i32
      %dma_start3A_174 = arith.constant 0 : i32
      %dma_start3A_175 = tpu.memref_slice %arg14[%dma_start3A_173, %dma_start3A_174] : memref<10112x16xf32, #tpu.memory_space<vmem_shared>> -> memref<10112x16xf32, #tpu.memory_space<vmem_shared>>
      tpu.enqueue_indirect_dma source(%dma_start3A_175 : memref<10112x16xf32, #tpu.memory_space<vmem_shared>>) target(%arg10 : memref<128x16xf32, #tpu.memory_space<vmem>>) offsets(%dma_start3A_172 : memref<128xi32, #tpu.memory_space<vmem>>) semaphore(%arg17 : memref<!tpu.dma_semaphore, #tpu.memory_space<semaphore_mem>>)
      %dma_wait3A_176 = arith.constant 0 : i32
      %dma_wait3A_177 = arith.constant 0 : i32
      %dma_wait3A_178 = tpu.memref_slice %arg2[%dma_wait3A_176, %dma_wait3A_177] : memref<10112x16xf32, #tpu.memory_space<hbm>> -> memref<128x16xf32, #tpu.memory_space<hbm>>
      %dma_wait3A_179 = arith.constant 0 : i32
      %dma_wait3A_180 = arith.constant 0 : i32
      %dma_wait3A_181 = tpu.memref_slice %arg2[%dma_wait3A_179, %dma_wait3A_180] : memref<10112x16xf32, #tpu.memory_space<hbm>> -> memref<128x16xf32, #tpu.memory_space<hbm>>
      tpu.wait_dma2 semaphore(%arg18 : memref<!tpu.dma_semaphore, #tpu.memory_space<semaphore_mem>>) src(%dma_wait3A_181 : memref<128x16xf32, #tpu.memory_space<hbm>>) dst(%arg11 : memref<128x16xf32, #tpu.memory_space<vmem>>)
      %add3A_182 = arith.constant 3 : i32
      %add3A_183 = arith.addi %mul3A_121, %add3A_182 : i32
      "tpu.region"() ({
        %run_scoped3A_195 = tpu.sem_alloc : memref<!tpu.dma_semaphore, #tpu.memory_space<semaphore_mem>>
        %dma_start3A_196 = arith.constant 0 : i32
        %dma_start3A_197 = tpu.memref_slice %arg7[%add3A_183, %dma_start3A_196] : memref<80x128xi32, #tpu.memory_space<vmem>> -> memref<1x128xi32, #tpu.memory_space<vmem>>
        %dma_start3A_198 = tpu.memref_squeeze %dma_start3A_197 : memref<1x128xi32, #tpu.memory_space<vmem>> -> memref<128xi32, #tpu.memory_space<vmem>>
        %dma_start3A_199 = arith.constant 0 : i32
        %dma_start3A_200 = arith.constant 0 : i32
        %dma_start3A_201 = tpu.memref_slice %arg13[%dma_start3A_199, %dma_start3A_200] : memref<10112x16xf32, #tpu.memory_space<vmem_shared>> -> memref<10112x16xf32, #tpu.memory_space<vmem_shared>>
        tpu.enqueue_indirect_dma source(%arg11 : memref<128x16xf32, #tpu.memory_space<vmem>>) target(%dma_start3A_201 : memref<10112x16xf32, #tpu.memory_space<vmem_shared>>) offsets(%dma_start3A_198 : memref<128xi32, #tpu.memory_space<vmem>>) semaphore(%run_scoped3A_195 : memref<!tpu.dma_semaphore, #tpu.memory_space<semaphore_mem>>) {add = true}
        %dma_wait3A_202 = arith.constant 0 : i32
        %dma_wait3A_203 = tpu.memref_slice %arg7[%add3A_183, %dma_wait3A_202] : memref<80x128xi32, #tpu.memory_space<vmem>> -> memref<1x128xi32, #tpu.memory_space<vmem>>
        %dma_wait3A_204 = tpu.memref_squeeze %dma_wait3A_203 : memref<1x128xi32, #tpu.memory_space<vmem>> -> memref<128xi32, #tpu.memory_space<vmem>>
        %dma_wait3A_205 = arith.constant 0 : i32
        %dma_wait3A_206 = arith.constant 0 : i32
        %dma_wait3A_207 = tpu.memref_slice %arg13[%dma_wait3A_205, %dma_wait3A_206] : memref<10112x16xf32, #tpu.memory_space<vmem_shared>> -> memref<10112x16xf32, #tpu.memory_space<vmem_shared>>
        tpu.wait_indirect_dma semaphore(%run_scoped3A_195 : memref<!tpu.dma_semaphore, #tpu.memory_space<semaphore_mem>>) src(%arg11 : memref<128x16xf32, #tpu.memory_space<vmem>>) dst(%dma_wait3A_207 : memref<10112x16xf32, #tpu.memory_space<vmem_shared>>)
        tpu.yield
      }) : () -> ()
      %add3A_184 = arith.constant 4 : i32
      %add3A_185 = arith.addi %mul3A_121, %add3A_184 : i32
      %add3A_186 = arith.constant 3 : i32
      %add3A_187 = arith.addi %add3A_185, %add3A_186 : i32
      %dma_start3A_188 = arith.constant 0 : i32
      %dma_start3A_189 = tpu.memref_slice %arg6[%add3A_187, %dma_start3A_188] : memref<80x128xi32, #tpu.memory_space<vmem>> -> memref<1x128xi32, #tpu.memory_space<vmem>>
      %dma_start3A_190 = tpu.memref_squeeze %dma_start3A_189 : memref<1x128xi32, #tpu.memory_space<vmem>> -> memref<128xi32, #tpu.memory_space<vmem>>
      %dma_start3A_191 = arith.constant 0 : i32
      %dma_start3A_192 = arith.constant 0 : i32
      %dma_start3A_193 = tpu.memref_slice %arg14[%dma_start3A_191, %dma_start3A_192] : memref<10112x16xf32, #tpu.memory_space<vmem_shared>> -> memref<10112x16xf32, #tpu.memory_space<vmem_shared>>
      tpu.enqueue_indirect_dma source(%dma_start3A_193 : memref<10112x16xf32, #tpu.memory_space<vmem_shared>>) target(%arg11 : memref<128x16xf32, #tpu.memory_space<vmem>>) offsets(%dma_start3A_190 : memref<128xi32, #tpu.memory_space<vmem>>) semaphore(%arg18 : memref<!tpu.dma_semaphore, #tpu.memory_space<semaphore_mem>>)
      %scan3A_194 = arith.constant 0 : i32
      scf.yield %scan3A_194 : i32
    }
    %scan3A_85 = arith.constant 19 : i32
    %dma_wait3A_86 = arith.constant 0 : i32
    %dma_wait3A_87 = arith.constant 0 : i32
    %dma_wait3A_88 = tpu.memref_slice %arg2[%dma_wait3A_86, %dma_wait3A_87] : memref<10112x16xf32, #tpu.memory_space<hbm>> -> memref<128x16xf32, #tpu.memory_space<hbm>>
    %dma_wait3A_89 = arith.constant 0 : i32
    %dma_wait3A_90 = arith.constant 0 : i32
    %dma_wait3A_91 = tpu.memref_slice %arg2[%dma_wait3A_89, %dma_wait3A_90] : memref<10112x16xf32, #tpu.memory_space<hbm>> -> memref<128x16xf32, #tpu.memory_space<hbm>>
    tpu.wait_dma2 semaphore(%arg15 : memref<!tpu.dma_semaphore, #tpu.memory_space<semaphore_mem>>) src(%dma_wait3A_91 : memref<128x16xf32, #tpu.memory_space<hbm>>) dst(%arg8 : memref<128x16xf32, #tpu.memory_space<vmem>>)
    %run_scoped3A = arith.constant 76 : i32
    "tpu.region"() ({
      %run_scoped3A_118 = tpu.sem_alloc : memref<!tpu.dma_semaphore, #tpu.memory_space<semaphore_mem>>
      %dma_start3A_119 = arith.constant 0 : i32
      %dma_start3A_120 = tpu.memref_slice %arg7[%run_scoped3A, %dma_start3A_119] : memref<80x128xi32, #tpu.memory_space<vmem>> -> memref<1x128xi32, #tpu.memory_space<vmem>>
      %dma_start3A_121 = tpu.memref_squeeze %dma_start3A_120 : memref<1x128xi32, #tpu.memory_space<vmem>> -> memref<128xi32, #tpu.memory_space<vmem>>
      %dma_start3A_122 = arith.constant 0 : i32
      %dma_start3A_123 = arith.constant 0 : i32
      %dma_start3A_124 = tpu.memref_slice %arg13[%dma_start3A_122, %dma_start3A_123] : memref<10112x16xf32, #tpu.memory_space<vmem_shared>> -> memref<10112x16xf32, #tpu.memory_space<vmem_shared>>
      tpu.enqueue_indirect_dma source(%arg8 : memref<128x16xf32, #tpu.memory_space<vmem>>) target(%dma_start3A_124 : memref<10112x16xf32, #tpu.memory_space<vmem_shared>>) offsets(%dma_start3A_121 : memref<128xi32, #tpu.memory_space<vmem>>) semaphore(%run_scoped3A_118 : memref<!tpu.dma_semaphore, #tpu.memory_space<semaphore_mem>>) {add = true}
      %dma_wait3A_125 = arith.constant 0 : i32
      %dma_wait3A_126 = tpu.memref_slice %arg7[%run_scoped3A, %dma_wait3A_125] : memref<80x128xi32, #tpu.memory_space<vmem>> -> memref<1x128xi32, #tpu.memory_space<vmem>>
      %dma_wait3A_127 = tpu.memref_squeeze %dma_wait3A_126 : memref<1x128xi32, #tpu.memory_space<vmem>> -> memref<128xi32, #tpu.memory_space<vmem>>
      %dma_wait3A_128 = arith.constant 0 : i32
      %dma_wait3A_129 = arith.constant 0 : i32
      %dma_wait3A_130 = tpu.memref_slice %arg13[%dma_wait3A_128, %dma_wait3A_129] : memref<10112x16xf32, #tpu.memory_space<vmem_shared>> -> memref<10112x16xf32, #tpu.memory_space<vmem_shared>>
      tpu.wait_indirect_dma semaphore(%run_scoped3A_118 : memref<!tpu.dma_semaphore, #tpu.memory_space<semaphore_mem>>) src(%arg8 : memref<128x16xf32, #tpu.memory_space<vmem>>) dst(%dma_wait3A_130 : memref<10112x16xf32, #tpu.memory_space<vmem_shared>>)
      tpu.yield
    }) : () -> ()
    %dma_wait3A_92 = arith.constant 0 : i32
    %dma_wait3A_93 = arith.constant 0 : i32
    %dma_wait3A_94 = tpu.memref_slice %arg2[%dma_wait3A_92, %dma_wait3A_93] : memref<10112x16xf32, #tpu.memory_space<hbm>> -> memref<128x16xf32, #tpu.memory_space<hbm>>
    %dma_wait3A_95 = arith.constant 0 : i32
    %dma_wait3A_96 = arith.constant 0 : i32
    %dma_wait3A_97 = tpu.memref_slice %arg2[%dma_wait3A_95, %dma_wait3A_96] : memref<10112x16xf32, #tpu.memory_space<hbm>> -> memref<128x16xf32, #tpu.memory_space<hbm>>
    tpu.wait_dma2 semaphore(%arg16 : memref<!tpu.dma_semaphore, #tpu.memory_space<semaphore_mem>>) src(%dma_wait3A_97 : memref<128x16xf32, #tpu.memory_space<hbm>>) dst(%arg9 : memref<128x16xf32, #tpu.memory_space<vmem>>)
    %run_scoped3A_98 = arith.constant 77 : i32
    "tpu.region"() ({
      %run_scoped3A_118 = tpu.sem_alloc : memref<!tpu.dma_semaphore, #tpu.memory_space<semaphore_mem>>
      %dma_start3A_119 = arith.constant 0 : i32
      %dma_start3A_120 = tpu.memref_slice %arg7[%run_scoped3A_98, %dma_start3A_119] : memref<80x128xi32, #tpu.memory_space<vmem>> -> memref<1x128xi32, #tpu.memory_space<vmem>>
      %dma_start3A_121 = tpu.memref_squeeze %dma_start3A_120 : memref<1x128xi32, #tpu.memory_space<vmem>> -> memref<128xi32, #tpu.memory_space<vmem>>
      %dma_start3A_122 = arith.constant 0 : i32
      %dma_start3A_123 = arith.constant 0 : i32
      %dma_start3A_124 = tpu.memref_slice %arg13[%dma_start3A_122, %dma_start3A_123] : memref<10112x16xf32, #tpu.memory_space<vmem_shared>> -> memref<10112x16xf32, #tpu.memory_space<vmem_shared>>
      tpu.enqueue_indirect_dma source(%arg9 : memref<128x16xf32, #tpu.memory_space<vmem>>) target(%dma_start3A_124 : memref<10112x16xf32, #tpu.memory_space<vmem_shared>>) offsets(%dma_start3A_121 : memref<128xi32, #tpu.memory_space<vmem>>) semaphore(%run_scoped3A_118 : memref<!tpu.dma_semaphore, #tpu.memory_space<semaphore_mem>>) {add = true}
      %dma_wait3A_125 = arith.constant 0 : i32
      %dma_wait3A_126 = tpu.memref_slice %arg7[%run_scoped3A_98, %dma_wait3A_125] : memref<80x128xi32, #tpu.memory_space<vmem>> -> memref<1x128xi32, #tpu.memory_space<vmem>>
      %dma_wait3A_127 = tpu.memref_squeeze %dma_wait3A_126 : memref<1x128xi32, #tpu.memory_space<vmem>> -> memref<128xi32, #tpu.memory_space<vmem>>
      %dma_wait3A_128 = arith.constant 0 : i32
      %dma_wait3A_129 = arith.constant 0 : i32
      %dma_wait3A_130 = tpu.memref_slice %arg13[%dma_wait3A_128, %dma_wait3A_129] : memref<10112x16xf32, #tpu.memory_space<vmem_shared>> -> memref<10112x16xf32, #tpu.memory_space<vmem_shared>>
      tpu.wait_indirect_dma semaphore(%run_scoped3A_118 : memref<!tpu.dma_semaphore, #tpu.memory_space<semaphore_mem>>) src(%arg9 : memref<128x16xf32, #tpu.memory_space<vmem>>) dst(%dma_wait3A_130 : memref<10112x16xf32, #tpu.memory_space<vmem_shared>>)
      tpu.yield
    }) : () -> ()
    %dma_wait3A_99 = arith.constant 0 : i32
    %dma_wait3A_100 = arith.constant 0 : i32
    %dma_wait3A_101 = tpu.memref_slice %arg2[%dma_wait3A_99, %dma_wait3A_100] : memref<10112x16xf32, #tpu.memory_space<hbm>> -> memref<128x16xf32, #tpu.memory_space<hbm>>
    %dma_wait3A_102 = arith.constant 0 : i32
    %dma_wait3A_103 = arith.constant 0 : i32
    %dma_wait3A_104 = tpu.memref_slice %arg2[%dma_wait3A_102, %dma_wait3A_103] : memref<10112x16xf32, #tpu.memory_space<hbm>> -> memref<128x16xf32, #tpu.memory_space<hbm>>
    tpu.wait_dma2 semaphore(%arg17 : memref<!tpu.dma_semaphore, #tpu.memory_space<semaphore_mem>>) src(%dma_wait3A_104 : memref<128x16xf32, #tpu.memory_space<hbm>>) dst(%arg10 : memref<128x16xf32, #tpu.memory_space<vmem>>)
    %run_scoped3A_105 = arith.constant 78 : i32
    "tpu.region"() ({
      %run_scoped3A_118 = tpu.sem_alloc : memref<!tpu.dma_semaphore, #tpu.memory_space<semaphore_mem>>
      %dma_start3A_119 = arith.constant 0 : i32
      %dma_start3A_120 = tpu.memref_slice %arg7[%run_scoped3A_105, %dma_start3A_119] : memref<80x128xi32, #tpu.memory_space<vmem>> -> memref<1x128xi32, #tpu.memory_space<vmem>>
      %dma_start3A_121 = tpu.memref_squeeze %dma_start3A_120 : memref<1x128xi32, #tpu.memory_space<vmem>> -> memref<128xi32, #tpu.memory_space<vmem>>
      %dma_start3A_122 = arith.constant 0 : i32
      %dma_start3A_123 = arith.constant 0 : i32
      %dma_start3A_124 = tpu.memref_slice %arg13[%dma_start3A_122, %dma_start3A_123] : memref<10112x16xf32, #tpu.memory_space<vmem_shared>> -> memref<10112x16xf32, #tpu.memory_space<vmem_shared>>
      tpu.enqueue_indirect_dma source(%arg10 : memref<128x16xf32, #tpu.memory_space<vmem>>) target(%dma_start3A_124 : memref<10112x16xf32, #tpu.memory_space<vmem_shared>>) offsets(%dma_start3A_121 : memref<128xi32, #tpu.memory_space<vmem>>) semaphore(%run_scoped3A_118 : memref<!tpu.dma_semaphore, #tpu.memory_space<semaphore_mem>>) {add = true}
      %dma_wait3A_125 = arith.constant 0 : i32
      %dma_wait3A_126 = tpu.memref_slice %arg7[%run_scoped3A_105, %dma_wait3A_125] : memref<80x128xi32, #tpu.memory_space<vmem>> -> memref<1x128xi32, #tpu.memory_space<vmem>>
      %dma_wait3A_127 = tpu.memref_squeeze %dma_wait3A_126 : memref<1x128xi32, #tpu.memory_space<vmem>> -> memref<128xi32, #tpu.memory_space<vmem>>
      %dma_wait3A_128 = arith.constant 0 : i32
      %dma_wait3A_129 = arith.constant 0 : i32
      %dma_wait3A_130 = tpu.memref_slice %arg13[%dma_wait3A_128, %dma_wait3A_129] : memref<10112x16xf32, #tpu.memory_space<vmem_shared>> -> memref<10112x16xf32, #tpu.memory_space<vmem_shared>>
      tpu.wait_indirect_dma semaphore(%run_scoped3A_118 : memref<!tpu.dma_semaphore, #tpu.memory_space<semaphore_mem>>) src(%arg10 : memref<128x16xf32, #tpu.memory_space<vmem>>) dst(%dma_wait3A_130 : memref<10112x16xf32, #tpu.memory_space<vmem_shared>>)
      tpu.yield
    }) : () -> ()
    %dma_wait3A_106 = arith.constant 0 : i32
    %dma_wait3A_107 = arith.constant 0 : i32
    %dma_wait3A_108 = tpu.memref_slice %arg2[%dma_wait3A_106, %dma_wait3A_107] : memref<10112x16xf32, #tpu.memory_space<hbm>> -> memref<128x16xf32, #tpu.memory_space<hbm>>
    %dma_wait3A_109 = arith.constant 0 : i32
    %dma_wait3A_110 = arith.constant 0 : i32
    %dma_wait3A_111 = tpu.memref_slice %arg2[%dma_wait3A_109, %dma_wait3A_110] : memref<10112x16xf32, #tpu.memory_space<hbm>> -> memref<128x16xf32, #tpu.memory_space<hbm>>
    tpu.wait_dma2 semaphore(%arg18 : memref<!tpu.dma_semaphore, #tpu.memory_space<semaphore_mem>>) src(%dma_wait3A_111 : memref<128x16xf32, #tpu.memory_space<hbm>>) dst(%arg11 : memref<128x16xf32, #tpu.memory_space<vmem>>)
    %run_scoped3A_112 = arith.constant 79 : i32
    "tpu.region"() ({
      %run_scoped3A_118 = tpu.sem_alloc : memref<!tpu.dma_semaphore, #tpu.memory_space<semaphore_mem>>
      %dma_start3A_119 = arith.constant 0 : i32
      %dma_start3A_120 = tpu.memref_slice %arg7[%run_scoped3A_112, %dma_start3A_119] : memref<80x128xi32, #tpu.memory_space<vmem>> -> memref<1x128xi32, #tpu.memory_space<vmem>>
      %dma_start3A_121 = tpu.memref_squeeze %dma_start3A_120 : memref<1x128xi32, #tpu.memory_space<vmem>> -> memref<128xi32, #tpu.memory_space<vmem>>
      %dma_start3A_122 = arith.constant 0 : i32
      %dma_start3A_123 = arith.constant 0 : i32
      %dma_start3A_124 = tpu.memref_slice %arg13[%dma_start3A_122, %dma_start3A_123] : memref<10112x16xf32, #tpu.memory_space<vmem_shared>> -> memref<10112x16xf32, #tpu.memory_space<vmem_shared>>
      tpu.enqueue_indirect_dma source(%arg11 : memref<128x16xf32, #tpu.memory_space<vmem>>) target(%dma_start3A_124 : memref<10112x16xf32, #tpu.memory_space<vmem_shared>>) offsets(%dma_start3A_121 : memref<128xi32, #tpu.memory_space<vmem>>) semaphore(%run_scoped3A_118 : memref<!tpu.dma_semaphore, #tpu.memory_space<semaphore_mem>>) {add = true}
      %dma_wait3A_125 = arith.constant 0 : i32
      %dma_wait3A_126 = tpu.memref_slice %arg7[%run_scoped3A_112, %dma_wait3A_125] : memref<80x128xi32, #tpu.memory_space<vmem>> -> memref<1x128xi32, #tpu.memory_space<vmem>>
      %dma_wait3A_127 = tpu.memref_squeeze %dma_wait3A_126 : memref<1x128xi32, #tpu.memory_space<vmem>> -> memref<128xi32, #tpu.memory_space<vmem>>
      %dma_wait3A_128 = arith.constant 0 : i32
      %dma_wait3A_129 = arith.constant 0 : i32
      %dma_wait3A_130 = tpu.memref_slice %arg13[%dma_wait3A_128, %dma_wait3A_129] : memref<10112x16xf32, #tpu.memory_space<vmem_shared>> -> memref<10112x16xf32, #tpu.memory_space<vmem_shared>>
      tpu.wait_indirect_dma semaphore(%run_scoped3A_118 : memref<!tpu.dma_semaphore, #tpu.memory_space<semaphore_mem>>) src(%arg11 : memref<128x16xf32, #tpu.memory_space<vmem>>) dst(%dma_wait3A_130 : memref<10112x16xf32, #tpu.memory_space<vmem_shared>>)
      tpu.yield
    }) : () -> ()
    %barrier3A_113 = arith.constant 0 : index
    tpu.barrier barrier_id(%barrier3A_113)
    %mul3A_114 = arith.constant 632 : i32
    %mul3A_115 = arith.muli %arg1, %mul3A_114 : i32
    %mul3A_116 = arith.constant 632 : i32
    %mul3A_117 = arith.muli %arg1, %mul3A_116 : i32
    "tpu.region"() ({
      %run_scoped3A_118 = tpu.sem_alloc : memref<!tpu.dma_semaphore, #tpu.memory_space<semaphore_mem>>
      %dma_start3A_119 = arith.constant 0 : i32
      %dma_start3A_120 = tpu.memref_slice %arg5[%arg0, %mul3A_117, %dma_start3A_119] : memref<2x10112x16xf32, #tpu.memory_space<hbm>> -> memref<1x632x16xf32, #tpu.memory_space<hbm>>
      %dma_start3A_121 = tpu.memref_squeeze %dma_start3A_120 : memref<1x632x16xf32, #tpu.memory_space<hbm>> -> memref<632x16xf32, #tpu.memory_space<hbm>>
      %dma_start3A_122 = arith.constant 0 : i32
      %dma_start3A_123 = tpu.memref_slice %arg13[%mul3A_115, %dma_start3A_122] : memref<10112x16xf32, #tpu.memory_space<vmem_shared>> -> memref<632x16xf32, #tpu.memory_space<vmem_shared>>
      tpu.enqueue_dma source(%dma_start3A_123 : memref<632x16xf32, #tpu.memory_space<vmem_shared>>) target(%dma_start3A_121 : memref<632x16xf32, #tpu.memory_space<hbm>>) target_semaphore(%run_scoped3A_118 : memref<!tpu.dma_semaphore, #tpu.memory_space<semaphore_mem>>)
      %dma_wait3A_124 = arith.constant 0 : i32
      %dma_wait3A_125 = tpu.memref_slice %arg5[%arg0, %mul3A_117, %dma_wait3A_124] : memref<2x10112x16xf32, #tpu.memory_space<hbm>> -> memref<1x632x16xf32, #tpu.memory_space<hbm>>
      %dma_wait3A_126 = tpu.memref_squeeze %dma_wait3A_125 : memref<1x632x16xf32, #tpu.memory_space<hbm>> -> memref<632x16xf32, #tpu.memory_space<hbm>>
      %dma_wait3A_127 = arith.constant 0 : i32
      %dma_wait3A_128 = tpu.memref_slice %arg13[%mul3A_115, %dma_wait3A_127] : memref<10112x16xf32, #tpu.memory_space<vmem_shared>> -> memref<632x16xf32, #tpu.memory_space<vmem_shared>>
      tpu.wait_dma2 semaphore(%run_scoped3A_118 : memref<!tpu.dma_semaphore, #tpu.memory_space<semaphore_mem>>) src(%dma_wait3A_128 : memref<632x16xf32, #tpu.memory_space<vmem_shared>>) dst(%dma_wait3A_126 : memref<632x16xf32, #tpu.memory_space<hbm>>)
      tpu.yield
    }) : () -> ()
    return
  }
}

#map = affine_map<(d0, d1) -> (0, 0, 0)>
#map1 = affine_map<(d0, d1) -> (0, 0)>
module attributes {stable_mosaic.version = 14 : i64} {
  func.func @_deg_body(%arg0: i32, %arg1: i32, %arg2: memref<32x80x128xi32, #tpu.memory_space<hbm>>, %arg3: memref<128x8xf32, #tpu.memory_space<hbm>>, %arg4: memref<632x8xf32, #tpu.memory_space<hbm>>, %arg5: memref<2x10112x8xf32, #tpu.memory_space<hbm>>, %arg6: memref<80x128xi32, #tpu.memory_space<vmem>>, %arg7: memref<128x8xf32, #tpu.memory_space<vmem>>, %arg8: memref<10112x8xf32, #tpu.memory_space<vmem_shared>>, %arg9: memref<!tpu.dma_semaphore, #tpu.memory_space<semaphore_mem>>, %arg10: memref<!tpu.dma_semaphore, #tpu.memory_space<semaphore_mem>>) attributes {dimension_semantics = [#tpu.dimension_semantics<core_parallel>, #tpu.dimension_semantics<subcore_parallel>], iteration_bounds = array<i64: 2, 16>, scalar_prefetch = 0 : i64, scratch_operands = 5 : i64, tpu.core_type = #tpu.core_type<sc_vector_subcore>, window_params = [{transform_indices = #map}, {transform_indices = #map1}, {transform_indices = #map1}, {transform_indices = #map}]} {
    %mul3A = arith.constant 16 : i32
    %mul3A_0 = arith.muli %arg0, %mul3A : i32
    %add3A = arith.addi %mul3A_0, %arg1 : i32
    tpu.enqueue_dma source(%arg3 : memref<128x8xf32, #tpu.memory_space<hbm>>) target(%arg7 : memref<128x8xf32, #tpu.memory_space<vmem>>) target_semaphore(%arg9 : memref<!tpu.dma_semaphore, #tpu.memory_space<semaphore_mem>>)
    %dma_start3A = arith.constant 0 : i32
    %dma_start3A_1 = arith.constant 0 : i32
    %dma_start3A_2 = tpu.memref_slice %arg2[%add3A, %dma_start3A, %dma_start3A_1] : memref<32x80x128xi32, #tpu.memory_space<hbm>> -> memref<1x80x128xi32, #tpu.memory_space<hbm>>
    %dma_start3A_3 = tpu.memref_squeeze %dma_start3A_2 : memref<1x80x128xi32, #tpu.memory_space<hbm>> -> memref<80x128xi32, #tpu.memory_space<hbm>>
    %dma_start3A_4 = arith.constant 0 : i32
    %dma_start3A_5 = arith.constant 0 : i32
    %dma_start3A_6 = tpu.memref_slice %arg2[%add3A, %dma_start3A_4, %dma_start3A_5] : memref<32x80x128xi32, #tpu.memory_space<hbm>> -> memref<1x80x128xi32, #tpu.memory_space<hbm>>
    %dma_start3A_7 = tpu.memref_squeeze %dma_start3A_6 : memref<1x80x128xi32, #tpu.memory_space<hbm>> -> memref<80x128xi32, #tpu.memory_space<hbm>>
    tpu.enqueue_dma source(%dma_start3A_7 : memref<80x128xi32, #tpu.memory_space<hbm>>) target(%arg6 : memref<80x128xi32, #tpu.memory_space<vmem>>) target_semaphore(%arg10 : memref<!tpu.dma_semaphore, #tpu.memory_space<semaphore_mem>>)
    %mul3A_8 = arith.constant 632 : i32
    %mul3A_9 = arith.muli %arg1, %mul3A_8 : i32
    "tpu.region"() ({
      %run_scoped3A = tpu.sem_alloc : memref<!tpu.dma_semaphore, #tpu.memory_space<semaphore_mem>>
      %dma_start3A_28 = arith.constant 0 : i32
      %dma_start3A_29 = tpu.memref_slice %arg8[%mul3A_9, %dma_start3A_28] : memref<10112x8xf32, #tpu.memory_space<vmem_shared>> -> memref<632x8xf32, #tpu.memory_space<vmem_shared>>
      tpu.enqueue_dma source(%arg4 : memref<632x8xf32, #tpu.memory_space<hbm>>) target(%dma_start3A_29 : memref<632x8xf32, #tpu.memory_space<vmem_shared>>) target_semaphore(%run_scoped3A : memref<!tpu.dma_semaphore, #tpu.memory_space<semaphore_mem>>)
      %dma_wait3A_30 = arith.constant 0 : i32
      %dma_wait3A_31 = tpu.memref_slice %arg8[%mul3A_9, %dma_wait3A_30] : memref<10112x8xf32, #tpu.memory_space<vmem_shared>> -> memref<632x8xf32, #tpu.memory_space<vmem_shared>>
      tpu.wait_dma2 semaphore(%run_scoped3A : memref<!tpu.dma_semaphore, #tpu.memory_space<semaphore_mem>>) src(%arg4 : memref<632x8xf32, #tpu.memory_space<hbm>>) dst(%dma_wait3A_31 : memref<632x8xf32, #tpu.memory_space<vmem_shared>>)
      tpu.yield
    }) : () -> ()
    tpu.wait_dma2 semaphore(%arg9 : memref<!tpu.dma_semaphore, #tpu.memory_space<semaphore_mem>>) src(%arg3 : memref<128x8xf32, #tpu.memory_space<hbm>>) dst(%arg7 : memref<128x8xf32, #tpu.memory_space<vmem>>)
    %dma_wait3A = arith.constant 0 : i32
    %dma_wait3A_10 = arith.constant 0 : i32
    %dma_wait3A_11 = tpu.memref_slice %arg2[%add3A, %dma_wait3A, %dma_wait3A_10] : memref<32x80x128xi32, #tpu.memory_space<hbm>> -> memref<1x80x128xi32, #tpu.memory_space<hbm>>
    %dma_wait3A_12 = tpu.memref_squeeze %dma_wait3A_11 : memref<1x80x128xi32, #tpu.memory_space<hbm>> -> memref<80x128xi32, #tpu.memory_space<hbm>>
    %dma_wait3A_13 = arith.constant 0 : i32
    %dma_wait3A_14 = arith.constant 0 : i32
    %dma_wait3A_15 = tpu.memref_slice %arg2[%add3A, %dma_wait3A_13, %dma_wait3A_14] : memref<32x80x128xi32, #tpu.memory_space<hbm>> -> memref<1x80x128xi32, #tpu.memory_space<hbm>>
    %dma_wait3A_16 = tpu.memref_squeeze %dma_wait3A_15 : memref<1x80x128xi32, #tpu.memory_space<hbm>> -> memref<80x128xi32, #tpu.memory_space<hbm>>
    tpu.wait_dma2 semaphore(%arg10 : memref<!tpu.dma_semaphore, #tpu.memory_space<semaphore_mem>>) src(%dma_wait3A_16 : memref<80x128xi32, #tpu.memory_space<hbm>>) dst(%arg6 : memref<80x128xi32, #tpu.memory_space<vmem>>)
    %barrier3A = arith.constant 0 : index
    tpu.barrier barrier_id(%barrier3A)
    %scan3A = arith.constant 0 : i32
    %scan3A_17 = arith.constant 0 : i32
    %scan3A_18 = arith.constant 80 : i32
    %scan3A_19 = arith.addi %scan3A_17, %scan3A_18 : i32
    %scan3A_20 = arith.constant 1 : i32
    %scan3A_21 = scf.for %scan3A_28 = %scan3A_17 to %scan3A_19 step %scan3A_20 iter_args(%scan3A_29 = %scan3A) -> (i32)  : i32 {
      "tpu.region"() ({
        %run_scoped3A = tpu.sem_alloc : memref<!tpu.dma_semaphore, #tpu.memory_space<semaphore_mem>>
        %dma_start3A_31 = arith.constant 0 : i32
        %dma_start3A_32 = tpu.memref_slice %arg6[%scan3A_28, %dma_start3A_31] : memref<80x128xi32, #tpu.memory_space<vmem>> -> memref<1x128xi32, #tpu.memory_space<vmem>>
        %dma_start3A_33 = tpu.memref_squeeze %dma_start3A_32 : memref<1x128xi32, #tpu.memory_space<vmem>> -> memref<128xi32, #tpu.memory_space<vmem>>
        %dma_start3A_34 = arith.constant 0 : i32
        %dma_start3A_35 = arith.constant 0 : i32
        %dma_start3A_36 = tpu.memref_slice %arg8[%dma_start3A_34, %dma_start3A_35] : memref<10112x8xf32, #tpu.memory_space<vmem_shared>> -> memref<10112x8xf32, #tpu.memory_space<vmem_shared>>
        tpu.enqueue_indirect_dma source(%arg7 : memref<128x8xf32, #tpu.memory_space<vmem>>) target(%dma_start3A_36 : memref<10112x8xf32, #tpu.memory_space<vmem_shared>>) offsets(%dma_start3A_33 : memref<128xi32, #tpu.memory_space<vmem>>) semaphore(%run_scoped3A : memref<!tpu.dma_semaphore, #tpu.memory_space<semaphore_mem>>) {add = true}
        %dma_wait3A_37 = arith.constant 0 : i32
        %dma_wait3A_38 = tpu.memref_slice %arg6[%scan3A_28, %dma_wait3A_37] : memref<80x128xi32, #tpu.memory_space<vmem>> -> memref<1x128xi32, #tpu.memory_space<vmem>>
        %dma_wait3A_39 = tpu.memref_squeeze %dma_wait3A_38 : memref<1x128xi32, #tpu.memory_space<vmem>> -> memref<128xi32, #tpu.memory_space<vmem>>
        %dma_wait3A_40 = arith.constant 0 : i32
        %dma_wait3A_41 = arith.constant 0 : i32
        %dma_wait3A_42 = tpu.memref_slice %arg8[%dma_wait3A_40, %dma_wait3A_41] : memref<10112x8xf32, #tpu.memory_space<vmem_shared>> -> memref<10112x8xf32, #tpu.memory_space<vmem_shared>>
        tpu.wait_indirect_dma semaphore(%run_scoped3A : memref<!tpu.dma_semaphore, #tpu.memory_space<semaphore_mem>>) src(%arg7 : memref<128x8xf32, #tpu.memory_space<vmem>>) dst(%dma_wait3A_42 : memref<10112x8xf32, #tpu.memory_space<vmem_shared>>)
        tpu.yield
      }) : () -> ()
      %scan3A_30 = arith.constant 0 : i32
      scf.yield %scan3A_30 : i32
    }
    %scan3A_22 = arith.constant 80 : i32
    %barrier3A_23 = arith.constant 0 : index
    tpu.barrier barrier_id(%barrier3A_23)
    %mul3A_24 = arith.constant 632 : i32
    %mul3A_25 = arith.muli %arg1, %mul3A_24 : i32
    %mul3A_26 = arith.constant 632 : i32
    %mul3A_27 = arith.muli %arg1, %mul3A_26 : i32
    "tpu.region"() ({
      %run_scoped3A = tpu.sem_alloc : memref<!tpu.dma_semaphore, #tpu.memory_space<semaphore_mem>>
      %dma_start3A_28 = arith.constant 0 : i32
      %dma_start3A_29 = tpu.memref_slice %arg5[%arg0, %mul3A_27, %dma_start3A_28] : memref<2x10112x8xf32, #tpu.memory_space<hbm>> -> memref<1x632x8xf32, #tpu.memory_space<hbm>>
      %dma_start3A_30 = tpu.memref_squeeze %dma_start3A_29 : memref<1x632x8xf32, #tpu.memory_space<hbm>> -> memref<632x8xf32, #tpu.memory_space<hbm>>
      %dma_start3A_31 = arith.constant 0 : i32
      %dma_start3A_32 = tpu.memref_slice %arg8[%mul3A_25, %dma_start3A_31] : memref<10112x8xf32, #tpu.memory_space<vmem_shared>> -> memref<632x8xf32, #tpu.memory_space<vmem_shared>>
      tpu.enqueue_dma source(%dma_start3A_32 : memref<632x8xf32, #tpu.memory_space<vmem_shared>>) target(%dma_start3A_30 : memref<632x8xf32, #tpu.memory_space<hbm>>) target_semaphore(%run_scoped3A : memref<!tpu.dma_semaphore, #tpu.memory_space<semaphore_mem>>)
      %dma_wait3A_33 = arith.constant 0 : i32
      %dma_wait3A_34 = tpu.memref_slice %arg5[%arg0, %mul3A_27, %dma_wait3A_33] : memref<2x10112x8xf32, #tpu.memory_space<hbm>> -> memref<1x632x8xf32, #tpu.memory_space<hbm>>
      %dma_wait3A_35 = tpu.memref_squeeze %dma_wait3A_34 : memref<1x632x8xf32, #tpu.memory_space<hbm>> -> memref<632x8xf32, #tpu.memory_space<hbm>>
      %dma_wait3A_36 = arith.constant 0 : i32
      %dma_wait3A_37 = tpu.memref_slice %arg8[%mul3A_25, %dma_wait3A_36] : memref<10112x8xf32, #tpu.memory_space<vmem_shared>> -> memref<632x8xf32, #tpu.memory_space<vmem_shared>>
      tpu.wait_dma2 semaphore(%run_scoped3A : memref<!tpu.dma_semaphore, #tpu.memory_space<semaphore_mem>>) src(%dma_wait3A_37 : memref<632x8xf32, #tpu.memory_space<vmem_shared>>) dst(%dma_wait3A_35 : memref<632x8xf32, #tpu.memory_space<hbm>>)
      tpu.yield
    }) : () -> ()
    return
  }
}

#map = affine_map<(d0, d1) -> (0, 0)>
#map1 = affine_map<(d0, d1) -> (0, 0, 0)>
module attributes {stable_mosaic.version = 14 : i64} {
  func.func @_layer_body(%arg0: i32, %arg1: i32, %arg2: memref<10112x16xf32, #tpu.memory_space<hbm>>, %arg3: memref<32x80x128xi32, #tpu.memory_space<hbm>>, %arg4: memref<32x80x128xi32, #tpu.memory_space<hbm>>, %arg5: memref<2x10112x16xf32, #tpu.memory_space<hbm>>, %arg6: memref<80x128xi32, #tpu.memory_space<vmem>>, %arg7: memref<80x128xi32, #tpu.memory_space<vmem>>, %arg8: memref<128x16xf32, #tpu.memory_space<vmem>>, %arg9: memref<128x16xf32, #tpu.memory_space<vmem>>, %arg10: memref<128x16xf32, #tpu.memory_space<vmem>>, %arg11: memref<128x16xf32, #tpu.memory_space<vmem>>, %arg12: memref<632x16xf32, #tpu.memory_space<vmem>>, %arg13: memref<10112x16xf32, #tpu.memory_space<vmem_shared>>, %arg14: memref<10112x16xf32, #tpu.memory_space<vmem_shared>>, %arg15: memref<!tpu.dma_semaphore, #tpu.memory_space<semaphore_mem>>, %arg16: memref<!tpu.dma_semaphore, #tpu.memory_space<semaphore_mem>>, %arg17: memref<!tpu.dma_semaphore, #tpu.memory_space<semaphore_mem>>, %arg18: memref<!tpu.dma_semaphore, #tpu.memory_space<semaphore_mem>>) attributes {dimension_semantics = [#tpu.dimension_semantics<core_parallel>, #tpu.dimension_semantics<subcore_parallel>], iteration_bounds = array<i64: 2, 16>, scalar_prefetch = 0 : i64, scratch_operands = 13 : i64, tpu.core_type = #tpu.core_type<sc_vector_subcore>, window_params = [{transform_indices = #map}, {transform_indices = #map1}, {transform_indices = #map1}, {transform_indices = #map1}]} {
    %mul3A = arith.constant 16 : i32
    %mul3A_0 = arith.muli %arg0, %mul3A : i32
    %add3A = arith.addi %mul3A_0, %arg1 : i32
    %mul3A_1 = arith.constant 632 : i32
    %mul3A_2 = arith.muli %arg1, %mul3A_1 : i32
    %mul3A_3 = arith.constant 632 : i32
    %mul3A_4 = arith.muli %arg1, %mul3A_3 : i32
    %dma_start3A = arith.constant 0 : i32
    %dma_start3A_5 = tpu.memref_slice %arg14[%mul3A_4, %dma_start3A] : memref<10112x16xf32, #tpu.memory_space<vmem_shared>> -> memref<632x16xf32, #tpu.memory_space<vmem_shared>>
    %dma_start3A_6 = arith.constant 0 : i32
    %dma_start3A_7 = tpu.memref_slice %arg2[%mul3A_2, %dma_start3A_6] : memref<10112x16xf32, #tpu.memory_space<hbm>> -> memref<632x16xf32, #tpu.memory_space<hbm>>
    tpu.enqueue_dma source(%dma_start3A_7 : memref<632x16xf32, #tpu.memory_space<hbm>>) target(%dma_start3A_5 : memref<632x16xf32, #tpu.memory_space<vmem_shared>>) target_semaphore(%arg15 : memref<!tpu.dma_semaphore, #tpu.memory_space<semaphore_mem>>)
    %dma_start3A_8 = arith.constant 0 : i32
    %dma_start3A_9 = arith.constant 0 : i32
    %dma_start3A_10 = tpu.memref_slice %arg3[%add3A, %dma_start3A_8, %dma_start3A_9] : memref<32x80x128xi32, #tpu.memory_space<hbm>> -> memref<1x80x128xi32, #tpu.memory_space<hbm>>
    %dma_start3A_11 = tpu.memref_squeeze %dma_start3A_10 : memref<1x80x128xi32, #tpu.memory_space<hbm>> -> memref<80x128xi32, #tpu.memory_space<hbm>>
    %dma_start3A_12 = arith.constant 0 : i32
    %dma_start3A_13 = arith.constant 0 : i32
    %dma_start3A_14 = tpu.memref_slice %arg3[%add3A, %dma_start3A_12, %dma_start3A_13] : memref<32x80x128xi32, #tpu.memory_space<hbm>> -> memref<1x80x128xi32, #tpu.memory_space<hbm>>
    %dma_start3A_15 = tpu.memref_squeeze %dma_start3A_14 : memref<1x80x128xi32, #tpu.memory_space<hbm>> -> memref<80x128xi32, #tpu.memory_space<hbm>>
    tpu.enqueue_dma source(%dma_start3A_15 : memref<80x128xi32, #tpu.memory_space<hbm>>) target(%arg6 : memref<80x128xi32, #tpu.memory_space<vmem>>) target_semaphore(%arg16 : memref<!tpu.dma_semaphore, #tpu.memory_space<semaphore_mem>>)
    %dma_start3A_16 = arith.constant 0 : i32
    %dma_start3A_17 = arith.constant 0 : i32
    %dma_start3A_18 = tpu.memref_slice %arg4[%add3A, %dma_start3A_16, %dma_start3A_17] : memref<32x80x128xi32, #tpu.memory_space<hbm>> -> memref<1x80x128xi32, #tpu.memory_space<hbm>>
    %dma_start3A_19 = tpu.memref_squeeze %dma_start3A_18 : memref<1x80x128xi32, #tpu.memory_space<hbm>> -> memref<80x128xi32, #tpu.memory_space<hbm>>
    %dma_start3A_20 = arith.constant 0 : i32
    %dma_start3A_21 = arith.constant 0 : i32
    %dma_start3A_22 = tpu.memref_slice %arg4[%add3A, %dma_start3A_20, %dma_start3A_21] : memref<32x80x128xi32, #tpu.memory_space<hbm>> -> memref<1x80x128xi32, #tpu.memory_space<hbm>>
    %dma_start3A_23 = tpu.memref_squeeze %dma_start3A_22 : memref<1x80x128xi32, #tpu.memory_space<hbm>> -> memref<80x128xi32, #tpu.memory_space<hbm>>
    tpu.enqueue_dma source(%dma_start3A_23 : memref<80x128xi32, #tpu.memory_space<hbm>>) target(%arg7 : memref<80x128xi32, #tpu.memory_space<vmem>>) target_semaphore(%arg17 : memref<!tpu.dma_semaphore, #tpu.memory_space<semaphore_mem>>)
    %scan3A = arith.constant 0 : i32
    %scan3A_24 = arith.constant 0 : i32
    %scan3A_25 = arith.constant 632 : i32
    %scan3A_26 = arith.addi %scan3A_24, %scan3A_25 : i32
    %scan3A_27 = arith.constant 1 : i32
    %scan3A_28 = scf.for %scan3A_118 = %scan3A_24 to %scan3A_26 step %scan3A_27 iter_args(%scan3A_119 = %scan3A) -> (i32)  : i32 {
      %broadcast_in_dim3A = arith.constant 0.000000e+00 : f32
      %broadcast_in_dim3A_120 = vector.broadcast %broadcast_in_dim3A : f32 to vector<16xf32>
      %swap3A = arith.index_cast %scan3A_118 : i32 to index
      %swap3A_121 = arith.constant 0 : index
      %swap3A_122 = tpu.vector_load %arg12[%swap3A, %swap3A_121] {strides = array<i32>} : memref<632x16xf32, #tpu.memory_space<vmem>>, vector<1x16xf32>,
      %swap3A_123 = vector.shape_cast %swap3A_122 : vector<1x16xf32> to vector<16xf32>
      %swap3A_124 = vector.shape_cast %broadcast_in_dim3A_120 : vector<16xf32> to vector<1x16xf32>
      tpu.vector_store %arg12[%swap3A, %swap3A_121], %swap3A_124 {strides = array<i32>} : memref<632x16xf32, #tpu.memory_space<vmem>>, vector<1x16xf32>,
      %scan3A_125 = arith.constant 0 : i32
      scf.yield %scan3A_125 : i32
    }
    %scan3A_29 = arith.constant 632 : i32
    %mul3A_30 = arith.constant 632 : i32
    %mul3A_31 = arith.muli %arg1, %mul3A_30 : i32
    "tpu.region"() ({
      %run_scoped3A_118 = tpu.sem_alloc : memref<!tpu.dma_semaphore, #tpu.memory_space<semaphore_mem>>
      %dma_start3A_119 = arith.constant 0 : i32
      %dma_start3A_120 = tpu.memref_slice %arg13[%mul3A_31, %dma_start3A_119] : memref<10112x16xf32, #tpu.memory_space<vmem_shared>> -> memref<632x16xf32, #tpu.memory_space<vmem_shared>>
      %dma_start3A_121 = arith.constant 0 : i32
      %dma_start3A_122 = tpu.memref_slice %arg13[%mul3A_31, %dma_start3A_121] : memref<10112x16xf32, #tpu.memory_space<vmem_shared>> -> memref<632x16xf32, #tpu.memory_space<vmem_shared>>
      tpu.enqueue_dma source(%arg12 : memref<632x16xf32, #tpu.memory_space<vmem>>) target(%dma_start3A_122 : memref<632x16xf32, #tpu.memory_space<vmem_shared>>) target_semaphore(%run_scoped3A_118 : memref<!tpu.dma_semaphore, #tpu.memory_space<semaphore_mem>>)
      %dma_wait3A_123 = arith.constant 0 : i32
      %dma_wait3A_124 = tpu.memref_slice %arg13[%mul3A_31, %dma_wait3A_123] : memref<10112x16xf32, #tpu.memory_space<vmem_shared>> -> memref<632x16xf32, #tpu.memory_space<vmem_shared>>
      %dma_wait3A_125 = arith.constant 0 : i32
      %dma_wait3A_126 = tpu.memref_slice %arg13[%mul3A_31, %dma_wait3A_125] : memref<10112x16xf32, #tpu.memory_space<vmem_shared>> -> memref<632x16xf32, #tpu.memory_space<vmem_shared>>
      tpu.wait_dma2 semaphore(%run_scoped3A_118 : memref<!tpu.dma_semaphore, #tpu.memory_space<semaphore_mem>>) src(%arg12 : memref<632x16xf32, #tpu.memory_space<vmem>>) dst(%dma_wait3A_126 : memref<632x16xf32, #tpu.memory_space<vmem_shared>>)
      tpu.yield
    }) : () -> ()
    %dma_wait3A = arith.constant 0 : i32
    %dma_wait3A_32 = tpu.memref_slice %arg14[%mul3A_4, %dma_wait3A] : memref<10112x16xf32, #tpu.memory_space<vmem_shared>> -> memref<632x16xf32, #tpu.memory_space<vmem_shared>>
    %dma_wait3A_33 = arith.constant 0 : i32
    %dma_wait3A_34 = tpu.memref_slice %arg2[%mul3A_2, %dma_wait3A_33] : memref<10112x16xf32, #tpu.memory_space<hbm>> -> memref<632x16xf32, #tpu.memory_space<hbm>>
    tpu.wait_dma2 semaphore(%arg15 : memref<!tpu.dma_semaphore, #tpu.memory_space<semaphore_mem>>) src(%dma_wait3A_34 : memref<632x16xf32, #tpu.memory_space<hbm>>) dst(%dma_wait3A_32 : memref<632x16xf32, #tpu.memory_space<vmem_shared>>)
    %dma_wait3A_35 = arith.constant 0 : i32
    %dma_wait3A_36 = arith.constant 0 : i32
    %dma_wait3A_37 = tpu.memref_slice %arg3[%add3A, %dma_wait3A_35, %dma_wait3A_36] : memref<32x80x128xi32, #tpu.memory_space<hbm>> -> memref<1x80x128xi32, #tpu.memory_space<hbm>>
    %dma_wait3A_38 = tpu.memref_squeeze %dma_wait3A_37 : memref<1x80x128xi32, #tpu.memory_space<hbm>> -> memref<80x128xi32, #tpu.memory_space<hbm>>
    %dma_wait3A_39 = arith.constant 0 : i32
    %dma_wait3A_40 = arith.constant 0 : i32
    %dma_wait3A_41 = tpu.memref_slice %arg3[%add3A, %dma_wait3A_39, %dma_wait3A_40] : memref<32x80x128xi32, #tpu.memory_space<hbm>> -> memref<1x80x128xi32, #tpu.memory_space<hbm>>
    %dma_wait3A_42 = tpu.memref_squeeze %dma_wait3A_41 : memref<1x80x128xi32, #tpu.memory_space<hbm>> -> memref<80x128xi32, #tpu.memory_space<hbm>>
    tpu.wait_dma2 semaphore(%arg16 : memref<!tpu.dma_semaphore, #tpu.memory_space<semaphore_mem>>) src(%dma_wait3A_42 : memref<80x128xi32, #tpu.memory_space<hbm>>) dst(%arg6 : memref<80x128xi32, #tpu.memory_space<vmem>>)
    %dma_wait3A_43 = arith.constant 0 : i32
    %dma_wait3A_44 = arith.constant 0 : i32
    %dma_wait3A_45 = tpu.memref_slice %arg4[%add3A, %dma_wait3A_43, %dma_wait3A_44] : memref<32x80x128xi32, #tpu.memory_space<hbm>> -> memref<1x80x128xi32, #tpu.memory_space<hbm>>
    %dma_wait3A_46 = tpu.memref_squeeze %dma_wait3A_45 : memref<1x80x128xi32, #tpu.memory_space<hbm>> -> memref<80x128xi32, #tpu.memory_space<hbm>>
    %dma_wait3A_47 = arith.constant 0 : i32
    %dma_wait3A_48 = arith.constant 0 : i32
    %dma_wait3A_49 = tpu.memref_slice %arg4[%add3A, %dma_wait3A_47, %dma_wait3A_48] : memref<32x80x128xi32, #tpu.memory_space<hbm>> -> memref<1x80x128xi32, #tpu.memory_space<hbm>>
    %dma_wait3A_50 = tpu.memref_squeeze %dma_wait3A_49 : memref<1x80x128xi32, #tpu.memory_space<hbm>> -> memref<80x128xi32, #tpu.memory_space<hbm>>
    tpu.wait_dma2 semaphore(%arg17 : memref<!tpu.dma_semaphore, #tpu.memory_space<semaphore_mem>>) src(%dma_wait3A_50 : memref<80x128xi32, #tpu.memory_space<hbm>>) dst(%arg7 : memref<80x128xi32, #tpu.memory_space<vmem>>)
    %barrier3A = arith.constant 0 : index
    tpu.barrier barrier_id(%barrier3A)
    %dma_start3A_51 = arith.constant 0 : i32
    %dma_start3A_52 = arith.constant 0 : i32
    %dma_start3A_53 = tpu.memref_slice %arg6[%dma_start3A_51, %dma_start3A_52] : memref<80x128xi32, #tpu.memory_space<vmem>> -> memref<1x128xi32, #tpu.memory_space<vmem>>
    %dma_start3A_54 = tpu.memref_squeeze %dma_start3A_53 : memref<1x128xi32, #tpu.memory_space<vmem>> -> memref<128xi32, #tpu.memory_space<vmem>>
    %dma_start3A_55 = arith.constant 0 : i32
    %dma_start3A_56 = arith.constant 0 : i32
    %dma_start3A_57 = tpu.memref_slice %arg14[%dma_start3A_55, %dma_start3A_56] : memref<10112x16xf32, #tpu.memory_space<vmem_shared>> -> memref<10112x16xf32, #tpu.memory_space<vmem_shared>>
    tpu.enqueue_indirect_dma source(%dma_start3A_57 : memref<10112x16xf32, #tpu.memory_space<vmem_shared>>) target(%arg8 : memref<128x16xf32, #tpu.memory_space<vmem>>) offsets(%dma_start3A_54 : memref<128xi32, #tpu.memory_space<vmem>>) semaphore(%arg15 : memref<!tpu.dma_semaphore, #tpu.memory_space<semaphore_mem>>)
    %dma_start3A_58 = arith.constant 1 : i32
    %dma_start3A_59 = arith.constant 0 : i32
    %dma_start3A_60 = tpu.memref_slice %arg6[%dma_start3A_58, %dma_start3A_59] : memref<80x128xi32, #tpu.memory_space<vmem>> -> memref<1x128xi32, #tpu.memory_space<vmem>>
    %dma_start3A_61 = tpu.memref_squeeze %dma_start3A_60 : memref<1x128xi32, #tpu.memory_space<vmem>> -> memref<128xi32, #tpu.memory_space<vmem>>
    %dma_start3A_62 = arith.constant 0 : i32
    %dma_start3A_63 = arith.constant 0 : i32
    %dma_start3A_64 = tpu.memref_slice %arg14[%dma_start3A_62, %dma_start3A_63] : memref<10112x16xf32, #tpu.memory_space<vmem_shared>> -> memref<10112x16xf32, #tpu.memory_space<vmem_shared>>
    tpu.enqueue_indirect_dma source(%dma_start3A_64 : memref<10112x16xf32, #tpu.memory_space<vmem_shared>>) target(%arg9 : memref<128x16xf32, #tpu.memory_space<vmem>>) offsets(%dma_start3A_61 : memref<128xi32, #tpu.memory_space<vmem>>) semaphore(%arg16 : memref<!tpu.dma_semaphore, #tpu.memory_space<semaphore_mem>>)
    %dma_start3A_65 = arith.constant 2 : i32
    %dma_start3A_66 = arith.constant 0 : i32
    %dma_start3A_67 = tpu.memref_slice %arg6[%dma_start3A_65, %dma_start3A_66] : memref<80x128xi32, #tpu.memory_space<vmem>> -> memref<1x128xi32, #tpu.memory_space<vmem>>
    %dma_start3A_68 = tpu.memref_squeeze %dma_start3A_67 : memref<1x128xi32, #tpu.memory_space<vmem>> -> memref<128xi32, #tpu.memory_space<vmem>>
    %dma_start3A_69 = arith.constant 0 : i32
    %dma_start3A_70 = arith.constant 0 : i32
    %dma_start3A_71 = tpu.memref_slice %arg14[%dma_start3A_69, %dma_start3A_70] : memref<10112x16xf32, #tpu.memory_space<vmem_shared>> -> memref<10112x16xf32, #tpu.memory_space<vmem_shared>>
    tpu.enqueue_indirect_dma source(%dma_start3A_71 : memref<10112x16xf32, #tpu.memory_space<vmem_shared>>) target(%arg10 : memref<128x16xf32, #tpu.memory_space<vmem>>) offsets(%dma_start3A_68 : memref<128xi32, #tpu.memory_space<vmem>>) semaphore(%arg17 : memref<!tpu.dma_semaphore, #tpu.memory_space<semaphore_mem>>)
    %dma_start3A_72 = arith.constant 3 : i32
    %dma_start3A_73 = arith.constant 0 : i32
    %dma_start3A_74 = tpu.memref_slice %arg6[%dma_start3A_72, %dma_start3A_73] : memref<80x128xi32, #tpu.memory_space<vmem>> -> memref<1x128xi32, #tpu.memory_space<vmem>>
    %dma_start3A_75 = tpu.memref_squeeze %dma_start3A_74 : memref<1x128xi32, #tpu.memory_space<vmem>> -> memref<128xi32, #tpu.memory_space<vmem>>
    %dma_start3A_76 = arith.constant 0 : i32
    %dma_start3A_77 = arith.constant 0 : i32
    %dma_start3A_78 = tpu.memref_slice %arg14[%dma_start3A_76, %dma_start3A_77] : memref<10112x16xf32, #tpu.memory_space<vmem_shared>> -> memref<10112x16xf32, #tpu.memory_space<vmem_shared>>
    tpu.enqueue_indirect_dma source(%dma_start3A_78 : memref<10112x16xf32, #tpu.memory_space<vmem_shared>>) target(%arg11 : memref<128x16xf32, #tpu.memory_space<vmem>>) offsets(%dma_start3A_75 : memref<128xi32, #tpu.memory_space<vmem>>) semaphore(%arg18 : memref<!tpu.dma_semaphore, #tpu.memory_space<semaphore_mem>>)
    %scan3A_79 = arith.constant 0 : i32
    %scan3A_80 = arith.constant 0 : i32
    %scan3A_81 = arith.constant 19 : i32
    %scan3A_82 = arith.addi %scan3A_80, %scan3A_81 : i32
    %scan3A_83 = arith.constant 1 : i32
    %scan3A_84 = scf.for %scan3A_118 = %scan3A_80 to %scan3A_82 step %scan3A_83 iter_args(%scan3A_119 = %scan3A_79) -> (i32)  : i32 {
      %mul3A_120 = arith.constant 4 : i32
      %mul3A_121 = arith.muli %mul3A_120, %scan3A_118 : i32
      %dma_wait3A_122 = arith.constant 0 : i32
      %dma_wait3A_123 = arith.constant 0 : i32
      %dma_wait3A_124 = tpu.memref_slice %arg2[%dma_wait3A_122, %dma_wait3A_123] : memref<10112x16xf32, #tpu.memory_space<hbm>> -> memref<128x16xf32, #tpu.memory_space<hbm>>
      %dma_wait3A_125 = arith.constant 0 : i32
      %dma_wait3A_126 = arith.constant 0 : i32
      %dma_wait3A_127 = tpu.memref_slice %arg2[%dma_wait3A_125, %dma_wait3A_126] : memref<10112x16xf32, #tpu.memory_space<hbm>> -> memref<128x16xf32, #tpu.memory_space<hbm>>
      tpu.wait_dma2 semaphore(%arg15 : memref<!tpu.dma_semaphore, #tpu.memory_space<semaphore_mem>>) src(%dma_wait3A_127 : memref<128x16xf32, #tpu.memory_space<hbm>>) dst(%arg8 : memref<128x16xf32, #tpu.memory_space<vmem>>)
      %add3A_128 = arith.constant 0 : i32
      %add3A_129 = arith.addi %mul3A_121, %add3A_128 : i32
      "tpu.region"() ({
        %run_scoped3A_195 = tpu.sem_alloc : memref<!tpu.dma_semaphore, #tpu.memory_space<semaphore_mem>>
        %dma_start3A_196 = arith.constant 0 : i32
        %dma_start3A_197 = tpu.memref_slice %arg7[%add3A_129, %dma_start3A_196] : memref<80x128xi32, #tpu.memory_space<vmem>> -> memref<1x128xi32, #tpu.memory_space<vmem>>
        %dma_start3A_198 = tpu.memref_squeeze %dma_start3A_197 : memref<1x128xi32, #tpu.memory_space<vmem>> -> memref<128xi32, #tpu.memory_space<vmem>>
        %dma_start3A_199 = arith.constant 0 : i32
        %dma_start3A_200 = arith.constant 0 : i32
        %dma_start3A_201 = tpu.memref_slice %arg13[%dma_start3A_199, %dma_start3A_200] : memref<10112x16xf32, #tpu.memory_space<vmem_shared>> -> memref<10112x16xf32, #tpu.memory_space<vmem_shared>>
        tpu.enqueue_indirect_dma source(%arg8 : memref<128x16xf32, #tpu.memory_space<vmem>>) target(%dma_start3A_201 : memref<10112x16xf32, #tpu.memory_space<vmem_shared>>) offsets(%dma_start3A_198 : memref<128xi32, #tpu.memory_space<vmem>>) semaphore(%run_scoped3A_195 : memref<!tpu.dma_semaphore, #tpu.memory_space<semaphore_mem>>) {add = true}
        %dma_wait3A_202 = arith.constant 0 : i32
        %dma_wait3A_203 = tpu.memref_slice %arg7[%add3A_129, %dma_wait3A_202] : memref<80x128xi32, #tpu.memory_space<vmem>> -> memref<1x128xi32, #tpu.memory_space<vmem>>
        %dma_wait3A_204 = tpu.memref_squeeze %dma_wait3A_203 : memref<1x128xi32, #tpu.memory_space<vmem>> -> memref<128xi32, #tpu.memory_space<vmem>>
        %dma_wait3A_205 = arith.constant 0 : i32
        %dma_wait3A_206 = arith.constant 0 : i32
        %dma_wait3A_207 = tpu.memref_slice %arg13[%dma_wait3A_205, %dma_wait3A_206] : memref<10112x16xf32, #tpu.memory_space<vmem_shared>> -> memref<10112x16xf32, #tpu.memory_space<vmem_shared>>
        tpu.wait_indirect_dma semaphore(%run_scoped3A_195 : memref<!tpu.dma_semaphore, #tpu.memory_space<semaphore_mem>>) src(%arg8 : memref<128x16xf32, #tpu.memory_space<vmem>>) dst(%dma_wait3A_207 : memref<10112x16xf32, #tpu.memory_space<vmem_shared>>)
        tpu.yield
      }) : () -> ()
      %add3A_130 = arith.constant 4 : i32
      %add3A_131 = arith.addi %mul3A_121, %add3A_130 : i32
      %add3A_132 = arith.constant 0 : i32
      %add3A_133 = arith.addi %add3A_131, %add3A_132 : i32
      %dma_start3A_134 = arith.constant 0 : i32
      %dma_start3A_135 = tpu.memref_slice %arg6[%add3A_133, %dma_start3A_134] : memref<80x128xi32, #tpu.memory_space<vmem>> -> memref<1x128xi32, #tpu.memory_space<vmem>>
      %dma_start3A_136 = tpu.memref_squeeze %dma_start3A_135 : memref<1x128xi32, #tpu.memory_space<vmem>> -> memref<128xi32, #tpu.memory_space<vmem>>
      %dma_start3A_137 = arith.constant 0 : i32
      %dma_start3A_138 = arith.constant 0 : i32
      %dma_start3A_139 = tpu.memref_slice %arg14[%dma_start3A_137, %dma_start3A_138] : memref<10112x16xf32, #tpu.memory_space<vmem_shared>> -> memref<10112x16xf32, #tpu.memory_space<vmem_shared>>
      tpu.enqueue_indirect_dma source(%dma_start3A_139 : memref<10112x16xf32, #tpu.memory_space<vmem_shared>>) target(%arg8 : memref<128x16xf32, #tpu.memory_space<vmem>>) offsets(%dma_start3A_136 : memref<128xi32, #tpu.memory_space<vmem>>) semaphore(%arg15 : memref<!tpu.dma_semaphore, #tpu.memory_space<semaphore_mem>>)
      %dma_wait3A_140 = arith.constant 0 : i32
      %dma_wait3A_141 = arith.constant 0 : i32
      %dma_wait3A_142 = tpu.memref_slice %arg2[%dma_wait3A_140, %dma_wait3A_141] : memref<10112x16xf32, #tpu.memory_space<hbm>> -> memref<128x16xf32, #tpu.memory_space<hbm>>
      %dma_wait3A_143 = arith.constant 0 : i32
      %dma_wait3A_144 = arith.constant 0 : i32
      %dma_wait3A_145 = tpu.memref_slice %arg2[%dma_wait3A_143, %dma_wait3A_144] : memref<10112x16xf32, #tpu.memory_space<hbm>> -> memref<128x16xf32, #tpu.memory_space<hbm>>
      tpu.wait_dma2 semaphore(%arg16 : memref<!tpu.dma_semaphore, #tpu.memory_space<semaphore_mem>>) src(%dma_wait3A_145 : memref<128x16xf32, #tpu.memory_space<hbm>>) dst(%arg9 : memref<128x16xf32, #tpu.memory_space<vmem>>)
      %add3A_146 = arith.constant 1 : i32
      %add3A_147 = arith.addi %mul3A_121, %add3A_146 : i32
      "tpu.region"() ({
        %run_scoped3A_195 = tpu.sem_alloc : memref<!tpu.dma_semaphore, #tpu.memory_space<semaphore_mem>>
        %dma_start3A_196 = arith.constant 0 : i32
        %dma_start3A_197 = tpu.memref_slice %arg7[%add3A_147, %dma_start3A_196] : memref<80x128xi32, #tpu.memory_space<vmem>> -> memref<1x128xi32, #tpu.memory_space<vmem>>
        %dma_start3A_198 = tpu.memref_squeeze %dma_start3A_197 : memref<1x128xi32, #tpu.memory_space<vmem>> -> memref<128xi32, #tpu.memory_space<vmem>>
        %dma_start3A_199 = arith.constant 0 : i32
        %dma_start3A_200 = arith.constant 0 : i32
        %dma_start3A_201 = tpu.memref_slice %arg13[%dma_start3A_199, %dma_start3A_200] : memref<10112x16xf32, #tpu.memory_space<vmem_shared>> -> memref<10112x16xf32, #tpu.memory_space<vmem_shared>>
        tpu.enqueue_indirect_dma source(%arg9 : memref<128x16xf32, #tpu.memory_space<vmem>>) target(%dma_start3A_201 : memref<10112x16xf32, #tpu.memory_space<vmem_shared>>) offsets(%dma_start3A_198 : memref<128xi32, #tpu.memory_space<vmem>>) semaphore(%run_scoped3A_195 : memref<!tpu.dma_semaphore, #tpu.memory_space<semaphore_mem>>) {add = true}
        %dma_wait3A_202 = arith.constant 0 : i32
        %dma_wait3A_203 = tpu.memref_slice %arg7[%add3A_147, %dma_wait3A_202] : memref<80x128xi32, #tpu.memory_space<vmem>> -> memref<1x128xi32, #tpu.memory_space<vmem>>
        %dma_wait3A_204 = tpu.memref_squeeze %dma_wait3A_203 : memref<1x128xi32, #tpu.memory_space<vmem>> -> memref<128xi32, #tpu.memory_space<vmem>>
        %dma_wait3A_205 = arith.constant 0 : i32
        %dma_wait3A_206 = arith.constant 0 : i32
        %dma_wait3A_207 = tpu.memref_slice %arg13[%dma_wait3A_205, %dma_wait3A_206] : memref<10112x16xf32, #tpu.memory_space<vmem_shared>> -> memref<10112x16xf32, #tpu.memory_space<vmem_shared>>
        tpu.wait_indirect_dma semaphore(%run_scoped3A_195 : memref<!tpu.dma_semaphore, #tpu.memory_space<semaphore_mem>>) src(%arg9 : memref<128x16xf32, #tpu.memory_space<vmem>>) dst(%dma_wait3A_207 : memref<10112x16xf32, #tpu.memory_space<vmem_shared>>)
        tpu.yield
      }) : () -> ()
      %add3A_148 = arith.constant 4 : i32
      %add3A_149 = arith.addi %mul3A_121, %add3A_148 : i32
      %add3A_150 = arith.constant 1 : i32
      %add3A_151 = arith.addi %add3A_149, %add3A_150 : i32
      %dma_start3A_152 = arith.constant 0 : i32
      %dma_start3A_153 = tpu.memref_slice %arg6[%add3A_151, %dma_start3A_152] : memref<80x128xi32, #tpu.memory_space<vmem>> -> memref<1x128xi32, #tpu.memory_space<vmem>>
      %dma_start3A_154 = tpu.memref_squeeze %dma_start3A_153 : memref<1x128xi32, #tpu.memory_space<vmem>> -> memref<128xi32, #tpu.memory_space<vmem>>
      %dma_start3A_155 = arith.constant 0 : i32
      %dma_start3A_156 = arith.constant 0 : i32
      %dma_start3A_157 = tpu.memref_slice %arg14[%dma_start3A_155, %dma_start3A_156] : memref<10112x16xf32, #tpu.memory_space<vmem_shared>> -> memref<10112x16xf32, #tpu.memory_space<vmem_shared>>
      tpu.enqueue_indirect_dma source(%dma_start3A_157 : memref<10112x16xf32, #tpu.memory_space<vmem_shared>>) target(%arg9 : memref<128x16xf32, #tpu.memory_space<vmem>>) offsets(%dma_start3A_154 : memref<128xi32, #tpu.memory_space<vmem>>) semaphore(%arg16 : memref<!tpu.dma_semaphore, #tpu.memory_space<semaphore_mem>>)
      %dma_wait3A_158 = arith.constant 0 : i32
      %dma_wait3A_159 = arith.constant 0 : i32
      %dma_wait3A_160 = tpu.memref_slice %arg2[%dma_wait3A_158, %dma_wait3A_159] : memref<10112x16xf32, #tpu.memory_space<hbm>> -> memref<128x16xf32, #tpu.memory_space<hbm>>
      %dma_wait3A_161 = arith.constant 0 : i32
      %dma_wait3A_162 = arith.constant 0 : i32
      %dma_wait3A_163 = tpu.memref_slice %arg2[%dma_wait3A_161, %dma_wait3A_162] : memref<10112x16xf32, #tpu.memory_space<hbm>> -> memref<128x16xf32, #tpu.memory_space<hbm>>
      tpu.wait_dma2 semaphore(%arg17 : memref<!tpu.dma_semaphore, #tpu.memory_space<semaphore_mem>>) src(%dma_wait3A_163 : memref<128x16xf32, #tpu.memory_space<hbm>>) dst(%arg10 : memref<128x16xf32, #tpu.memory_space<vmem>>)
      %add3A_164 = arith.constant 2 : i32
      %add3A_165 = arith.addi %mul3A_121, %add3A_164 : i32
      "tpu.region"() ({
        %run_scoped3A_195 = tpu.sem_alloc : memref<!tpu.dma_semaphore, #tpu.memory_space<semaphore_mem>>
        %dma_start3A_196 = arith.constant 0 : i32
        %dma_start3A_197 = tpu.memref_slice %arg7[%add3A_165, %dma_start3A_196] : memref<80x128xi32, #tpu.memory_space<vmem>> -> memref<1x128xi32, #tpu.memory_space<vmem>>
        %dma_start3A_198 = tpu.memref_squeeze %dma_start3A_197 : memref<1x128xi32, #tpu.memory_space<vmem>> -> memref<128xi32, #tpu.memory_space<vmem>>
        %dma_start3A_199 = arith.constant 0 : i32
        %dma_start3A_200 = arith.constant 0 : i32
        %dma_start3A_201 = tpu.memref_slice %arg13[%dma_start3A_199, %dma_start3A_200] : memref<10112x16xf32, #tpu.memory_space<vmem_shared>> -> memref<10112x16xf32, #tpu.memory_space<vmem_shared>>
        tpu.enqueue_indirect_dma source(%arg10 : memref<128x16xf32, #tpu.memory_space<vmem>>) target(%dma_start3A_201 : memref<10112x16xf32, #tpu.memory_space<vmem_shared>>) offsets(%dma_start3A_198 : memref<128xi32, #tpu.memory_space<vmem>>) semaphore(%run_scoped3A_195 : memref<!tpu.dma_semaphore, #tpu.memory_space<semaphore_mem>>) {add = true}
        %dma_wait3A_202 = arith.constant 0 : i32
        %dma_wait3A_203 = tpu.memref_slice %arg7[%add3A_165, %dma_wait3A_202] : memref<80x128xi32, #tpu.memory_space<vmem>> -> memref<1x128xi32, #tpu.memory_space<vmem>>
        %dma_wait3A_204 = tpu.memref_squeeze %dma_wait3A_203 : memref<1x128xi32, #tpu.memory_space<vmem>> -> memref<128xi32, #tpu.memory_space<vmem>>
        %dma_wait3A_205 = arith.constant 0 : i32
        %dma_wait3A_206 = arith.constant 0 : i32
        %dma_wait3A_207 = tpu.memref_slice %arg13[%dma_wait3A_205, %dma_wait3A_206] : memref<10112x16xf32, #tpu.memory_space<vmem_shared>> -> memref<10112x16xf32, #tpu.memory_space<vmem_shared>>
        tpu.wait_indirect_dma semaphore(%run_scoped3A_195 : memref<!tpu.dma_semaphore, #tpu.memory_space<semaphore_mem>>) src(%arg10 : memref<128x16xf32, #tpu.memory_space<vmem>>) dst(%dma_wait3A_207 : memref<10112x16xf32, #tpu.memory_space<vmem_shared>>)
        tpu.yield
      }) : () -> ()
      %add3A_166 = arith.constant 4 : i32
      %add3A_167 = arith.addi %mul3A_121, %add3A_166 : i32
      %add3A_168 = arith.constant 2 : i32
      %add3A_169 = arith.addi %add3A_167, %add3A_168 : i32
      %dma_start3A_170 = arith.constant 0 : i32
      %dma_start3A_171 = tpu.memref_slice %arg6[%add3A_169, %dma_start3A_170] : memref<80x128xi32, #tpu.memory_space<vmem>> -> memref<1x128xi32, #tpu.memory_space<vmem>>
      %dma_start3A_172 = tpu.memref_squeeze %dma_start3A_171 : memref<1x128xi32, #tpu.memory_space<vmem>> -> memref<128xi32, #tpu.memory_space<vmem>>
      %dma_start3A_173 = arith.constant 0 : i32
      %dma_start3A_174 = arith.constant 0 : i32
      %dma_start3A_175 = tpu.memref_slice %arg14[%dma_start3A_173, %dma_start3A_174] : memref<10112x16xf32, #tpu.memory_space<vmem_shared>> -> memref<10112x16xf32, #tpu.memory_space<vmem_shared>>
      tpu.enqueue_indirect_dma source(%dma_start3A_175 : memref<10112x16xf32, #tpu.memory_space<vmem_shared>>) target(%arg10 : memref<128x16xf32, #tpu.memory_space<vmem>>) offsets(%dma_start3A_172 : memref<128xi32, #tpu.memory_space<vmem>>) semaphore(%arg17 : memref<!tpu.dma_semaphore, #tpu.memory_space<semaphore_mem>>)
      %dma_wait3A_176 = arith.constant 0 : i32
      %dma_wait3A_177 = arith.constant 0 : i32
      %dma_wait3A_178 = tpu.memref_slice %arg2[%dma_wait3A_176, %dma_wait3A_177] : memref<10112x16xf32, #tpu.memory_space<hbm>> -> memref<128x16xf32, #tpu.memory_space<hbm>>
      %dma_wait3A_179 = arith.constant 0 : i32
      %dma_wait3A_180 = arith.constant 0 : i32
      %dma_wait3A_181 = tpu.memref_slice %arg2[%dma_wait3A_179, %dma_wait3A_180] : memref<10112x16xf32, #tpu.memory_space<hbm>> -> memref<128x16xf32, #tpu.memory_space<hbm>>
      tpu.wait_dma2 semaphore(%arg18 : memref<!tpu.dma_semaphore, #tpu.memory_space<semaphore_mem>>) src(%dma_wait3A_181 : memref<128x16xf32, #tpu.memory_space<hbm>>) dst(%arg11 : memref<128x16xf32, #tpu.memory_space<vmem>>)
      %add3A_182 = arith.constant 3 : i32
      %add3A_183 = arith.addi %mul3A_121, %add3A_182 : i32
      "tpu.region"() ({
        %run_scoped3A_195 = tpu.sem_alloc : memref<!tpu.dma_semaphore, #tpu.memory_space<semaphore_mem>>
        %dma_start3A_196 = arith.constant 0 : i32
        %dma_start3A_197 = tpu.memref_slice %arg7[%add3A_183, %dma_start3A_196] : memref<80x128xi32, #tpu.memory_space<vmem>> -> memref<1x128xi32, #tpu.memory_space<vmem>>
        %dma_start3A_198 = tpu.memref_squeeze %dma_start3A_197 : memref<1x128xi32, #tpu.memory_space<vmem>> -> memref<128xi32, #tpu.memory_space<vmem>>
        %dma_start3A_199 = arith.constant 0 : i32
        %dma_start3A_200 = arith.constant 0 : i32
        %dma_start3A_201 = tpu.memref_slice %arg13[%dma_start3A_199, %dma_start3A_200] : memref<10112x16xf32, #tpu.memory_space<vmem_shared>> -> memref<10112x16xf32, #tpu.memory_space<vmem_shared>>
        tpu.enqueue_indirect_dma source(%arg11 : memref<128x16xf32, #tpu.memory_space<vmem>>) target(%dma_start3A_201 : memref<10112x16xf32, #tpu.memory_space<vmem_shared>>) offsets(%dma_start3A_198 : memref<128xi32, #tpu.memory_space<vmem>>) semaphore(%run_scoped3A_195 : memref<!tpu.dma_semaphore, #tpu.memory_space<semaphore_mem>>) {add = true}
        %dma_wait3A_202 = arith.constant 0 : i32
        %dma_wait3A_203 = tpu.memref_slice %arg7[%add3A_183, %dma_wait3A_202] : memref<80x128xi32, #tpu.memory_space<vmem>> -> memref<1x128xi32, #tpu.memory_space<vmem>>
        %dma_wait3A_204 = tpu.memref_squeeze %dma_wait3A_203 : memref<1x128xi32, #tpu.memory_space<vmem>> -> memref<128xi32, #tpu.memory_space<vmem>>
        %dma_wait3A_205 = arith.constant 0 : i32
        %dma_wait3A_206 = arith.constant 0 : i32
        %dma_wait3A_207 = tpu.memref_slice %arg13[%dma_wait3A_205, %dma_wait3A_206] : memref<10112x16xf32, #tpu.memory_space<vmem_shared>> -> memref<10112x16xf32, #tpu.memory_space<vmem_shared>>
        tpu.wait_indirect_dma semaphore(%run_scoped3A_195 : memref<!tpu.dma_semaphore, #tpu.memory_space<semaphore_mem>>) src(%arg11 : memref<128x16xf32, #tpu.memory_space<vmem>>) dst(%dma_wait3A_207 : memref<10112x16xf32, #tpu.memory_space<vmem_shared>>)
        tpu.yield
      }) : () -> ()
      %add3A_184 = arith.constant 4 : i32
      %add3A_185 = arith.addi %mul3A_121, %add3A_184 : i32
      %add3A_186 = arith.constant 3 : i32
      %add3A_187 = arith.addi %add3A_185, %add3A_186 : i32
      %dma_start3A_188 = arith.constant 0 : i32
      %dma_start3A_189 = tpu.memref_slice %arg6[%add3A_187, %dma_start3A_188] : memref<80x128xi32, #tpu.memory_space<vmem>> -> memref<1x128xi32, #tpu.memory_space<vmem>>
      %dma_start3A_190 = tpu.memref_squeeze %dma_start3A_189 : memref<1x128xi32, #tpu.memory_space<vmem>> -> memref<128xi32, #tpu.memory_space<vmem>>
      %dma_start3A_191 = arith.constant 0 : i32
      %dma_start3A_192 = arith.constant 0 : i32
      %dma_start3A_193 = tpu.memref_slice %arg14[%dma_start3A_191, %dma_start3A_192] : memref<10112x16xf32, #tpu.memory_space<vmem_shared>> -> memref<10112x16xf32, #tpu.memory_space<vmem_shared>>
      tpu.enqueue_indirect_dma source(%dma_start3A_193 : memref<10112x16xf32, #tpu.memory_space<vmem_shared>>) target(%arg11 : memref<128x16xf32, #tpu.memory_space<vmem>>) offsets(%dma_start3A_190 : memref<128xi32, #tpu.memory_space<vmem>>) semaphore(%arg18 : memref<!tpu.dma_semaphore, #tpu.memory_space<semaphore_mem>>)
      %scan3A_194 = arith.constant 0 : i32
      scf.yield %scan3A_194 : i32
    }
    %scan3A_85 = arith.constant 19 : i32
    %dma_wait3A_86 = arith.constant 0 : i32
    %dma_wait3A_87 = arith.constant 0 : i32
    %dma_wait3A_88 = tpu.memref_slice %arg2[%dma_wait3A_86, %dma_wait3A_87] : memref<10112x16xf32, #tpu.memory_space<hbm>> -> memref<128x16xf32, #tpu.memory_space<hbm>>
    %dma_wait3A_89 = arith.constant 0 : i32
    %dma_wait3A_90 = arith.constant 0 : i32
    %dma_wait3A_91 = tpu.memref_slice %arg2[%dma_wait3A_89, %dma_wait3A_90] : memref<10112x16xf32, #tpu.memory_space<hbm>> -> memref<128x16xf32, #tpu.memory_space<hbm>>
    tpu.wait_dma2 semaphore(%arg15 : memref<!tpu.dma_semaphore, #tpu.memory_space<semaphore_mem>>) src(%dma_wait3A_91 : memref<128x16xf32, #tpu.memory_space<hbm>>) dst(%arg8 : memref<128x16xf32, #tpu.memory_space<vmem>>)
    %run_scoped3A = arith.constant 76 : i32
    "tpu.region"() ({
      %run_scoped3A_118 = tpu.sem_alloc : memref<!tpu.dma_semaphore, #tpu.memory_space<semaphore_mem>>
      %dma_start3A_119 = arith.constant 0 : i32
      %dma_start3A_120 = tpu.memref_slice %arg7[%run_scoped3A, %dma_start3A_119] : memref<80x128xi32, #tpu.memory_space<vmem>> -> memref<1x128xi32, #tpu.memory_space<vmem>>
      %dma_start3A_121 = tpu.memref_squeeze %dma_start3A_120 : memref<1x128xi32, #tpu.memory_space<vmem>> -> memref<128xi32, #tpu.memory_space<vmem>>
      %dma_start3A_122 = arith.constant 0 : i32
      %dma_start3A_123 = arith.constant 0 : i32
      %dma_start3A_124 = tpu.memref_slice %arg13[%dma_start3A_122, %dma_start3A_123] : memref<10112x16xf32, #tpu.memory_space<vmem_shared>> -> memref<10112x16xf32, #tpu.memory_space<vmem_shared>>
      tpu.enqueue_indirect_dma source(%arg8 : memref<128x16xf32, #tpu.memory_space<vmem>>) target(%dma_start3A_124 : memref<10112x16xf32, #tpu.memory_space<vmem_shared>>) offsets(%dma_start3A_121 : memref<128xi32, #tpu.memory_space<vmem>>) semaphore(%run_scoped3A_118 : memref<!tpu.dma_semaphore, #tpu.memory_space<semaphore_mem>>) {add = true}
      %dma_wait3A_125 = arith.constant 0 : i32
      %dma_wait3A_126 = tpu.memref_slice %arg7[%run_scoped3A, %dma_wait3A_125] : memref<80x128xi32, #tpu.memory_space<vmem>> -> memref<1x128xi32, #tpu.memory_space<vmem>>
      %dma_wait3A_127 = tpu.memref_squeeze %dma_wait3A_126 : memref<1x128xi32, #tpu.memory_space<vmem>> -> memref<128xi32, #tpu.memory_space<vmem>>
      %dma_wait3A_128 = arith.constant 0 : i32
      %dma_wait3A_129 = arith.constant 0 : i32
      %dma_wait3A_130 = tpu.memref_slice %arg13[%dma_wait3A_128, %dma_wait3A_129] : memref<10112x16xf32, #tpu.memory_space<vmem_shared>> -> memref<10112x16xf32, #tpu.memory_space<vmem_shared>>
      tpu.wait_indirect_dma semaphore(%run_scoped3A_118 : memref<!tpu.dma_semaphore, #tpu.memory_space<semaphore_mem>>) src(%arg8 : memref<128x16xf32, #tpu.memory_space<vmem>>) dst(%dma_wait3A_130 : memref<10112x16xf32, #tpu.memory_space<vmem_shared>>)
      tpu.yield
    }) : () -> ()
    %dma_wait3A_92 = arith.constant 0 : i32
    %dma_wait3A_93 = arith.constant 0 : i32
    %dma_wait3A_94 = tpu.memref_slice %arg2[%dma_wait3A_92, %dma_wait3A_93] : memref<10112x16xf32, #tpu.memory_space<hbm>> -> memref<128x16xf32, #tpu.memory_space<hbm>>
    %dma_wait3A_95 = arith.constant 0 : i32
    %dma_wait3A_96 = arith.constant 0 : i32
    %dma_wait3A_97 = tpu.memref_slice %arg2[%dma_wait3A_95, %dma_wait3A_96] : memref<10112x16xf32, #tpu.memory_space<hbm>> -> memref<128x16xf32, #tpu.memory_space<hbm>>
    tpu.wait_dma2 semaphore(%arg16 : memref<!tpu.dma_semaphore, #tpu.memory_space<semaphore_mem>>) src(%dma_wait3A_97 : memref<128x16xf32, #tpu.memory_space<hbm>>) dst(%arg9 : memref<128x16xf32, #tpu.memory_space<vmem>>)
    %run_scoped3A_98 = arith.constant 77 : i32
    "tpu.region"() ({
      %run_scoped3A_118 = tpu.sem_alloc : memref<!tpu.dma_semaphore, #tpu.memory_space<semaphore_mem>>
      %dma_start3A_119 = arith.constant 0 : i32
      %dma_start3A_120 = tpu.memref_slice %arg7[%run_scoped3A_98, %dma_start3A_119] : memref<80x128xi32, #tpu.memory_space<vmem>> -> memref<1x128xi32, #tpu.memory_space<vmem>>
      %dma_start3A_121 = tpu.memref_squeeze %dma_start3A_120 : memref<1x128xi32, #tpu.memory_space<vmem>> -> memref<128xi32, #tpu.memory_space<vmem>>
      %dma_start3A_122 = arith.constant 0 : i32
      %dma_start3A_123 = arith.constant 0 : i32
      %dma_start3A_124 = tpu.memref_slice %arg13[%dma_start3A_122, %dma_start3A_123] : memref<10112x16xf32, #tpu.memory_space<vmem_shared>> -> memref<10112x16xf32, #tpu.memory_space<vmem_shared>>
      tpu.enqueue_indirect_dma source(%arg9 : memref<128x16xf32, #tpu.memory_space<vmem>>) target(%dma_start3A_124 : memref<10112x16xf32, #tpu.memory_space<vmem_shared>>) offsets(%dma_start3A_121 : memref<128xi32, #tpu.memory_space<vmem>>) semaphore(%run_scoped3A_118 : memref<!tpu.dma_semaphore, #tpu.memory_space<semaphore_mem>>) {add = true}
      %dma_wait3A_125 = arith.constant 0 : i32
      %dma_wait3A_126 = tpu.memref_slice %arg7[%run_scoped3A_98, %dma_wait3A_125] : memref<80x128xi32, #tpu.memory_space<vmem>> -> memref<1x128xi32, #tpu.memory_space<vmem>>
      %dma_wait3A_127 = tpu.memref_squeeze %dma_wait3A_126 : memref<1x128xi32, #tpu.memory_space<vmem>> -> memref<128xi32, #tpu.memory_space<vmem>>
      %dma_wait3A_128 = arith.constant 0 : i32
      %dma_wait3A_129 = arith.constant 0 : i32
      %dma_wait3A_130 = tpu.memref_slice %arg13[%dma_wait3A_128, %dma_wait3A_129] : memref<10112x16xf32, #tpu.memory_space<vmem_shared>> -> memref<10112x16xf32, #tpu.memory_space<vmem_shared>>
      tpu.wait_indirect_dma semaphore(%run_scoped3A_118 : memref<!tpu.dma_semaphore, #tpu.memory_space<semaphore_mem>>) src(%arg9 : memref<128x16xf32, #tpu.memory_space<vmem>>) dst(%dma_wait3A_130 : memref<10112x16xf32, #tpu.memory_space<vmem_shared>>)
      tpu.yield
    }) : () -> ()
    %dma_wait3A_99 = arith.constant 0 : i32
    %dma_wait3A_100 = arith.constant 0 : i32
    %dma_wait3A_101 = tpu.memref_slice %arg2[%dma_wait3A_99, %dma_wait3A_100] : memref<10112x16xf32, #tpu.memory_space<hbm>> -> memref<128x16xf32, #tpu.memory_space<hbm>>
    %dma_wait3A_102 = arith.constant 0 : i32
    %dma_wait3A_103 = arith.constant 0 : i32
    %dma_wait3A_104 = tpu.memref_slice %arg2[%dma_wait3A_102, %dma_wait3A_103] : memref<10112x16xf32, #tpu.memory_space<hbm>> -> memref<128x16xf32, #tpu.memory_space<hbm>>
    tpu.wait_dma2 semaphore(%arg17 : memref<!tpu.dma_semaphore, #tpu.memory_space<semaphore_mem>>) src(%dma_wait3A_104 : memref<128x16xf32, #tpu.memory_space<hbm>>) dst(%arg10 : memref<128x16xf32, #tpu.memory_space<vmem>>)
    %run_scoped3A_105 = arith.constant 78 : i32
    "tpu.region"() ({
      %run_scoped3A_118 = tpu.sem_alloc : memref<!tpu.dma_semaphore, #tpu.memory_space<semaphore_mem>>
      %dma_start3A_119 = arith.constant 0 : i32
      %dma_start3A_120 = tpu.memref_slice %arg7[%run_scoped3A_105, %dma_start3A_119] : memref<80x128xi32, #tpu.memory_space<vmem>> -> memref<1x128xi32, #tpu.memory_space<vmem>>
      %dma_start3A_121 = tpu.memref_squeeze %dma_start3A_120 : memref<1x128xi32, #tpu.memory_space<vmem>> -> memref<128xi32, #tpu.memory_space<vmem>>
      %dma_start3A_122 = arith.constant 0 : i32
      %dma_start3A_123 = arith.constant 0 : i32
      %dma_start3A_124 = tpu.memref_slice %arg13[%dma_start3A_122, %dma_start3A_123] : memref<10112x16xf32, #tpu.memory_space<vmem_shared>> -> memref<10112x16xf32, #tpu.memory_space<vmem_shared>>
      tpu.enqueue_indirect_dma source(%arg10 : memref<128x16xf32, #tpu.memory_space<vmem>>) target(%dma_start3A_124 : memref<10112x16xf32, #tpu.memory_space<vmem_shared>>) offsets(%dma_start3A_121 : memref<128xi32, #tpu.memory_space<vmem>>) semaphore(%run_scoped3A_118 : memref<!tpu.dma_semaphore, #tpu.memory_space<semaphore_mem>>) {add = true}
      %dma_wait3A_125 = arith.constant 0 : i32
      %dma_wait3A_126 = tpu.memref_slice %arg7[%run_scoped3A_105, %dma_wait3A_125] : memref<80x128xi32, #tpu.memory_space<vmem>> -> memref<1x128xi32, #tpu.memory_space<vmem>>
      %dma_wait3A_127 = tpu.memref_squeeze %dma_wait3A_126 : memref<1x128xi32, #tpu.memory_space<vmem>> -> memref<128xi32, #tpu.memory_space<vmem>>
      %dma_wait3A_128 = arith.constant 0 : i32
      %dma_wait3A_129 = arith.constant 0 : i32
      %dma_wait3A_130 = tpu.memref_slice %arg13[%dma_wait3A_128, %dma_wait3A_129] : memref<10112x16xf32, #tpu.memory_space<vmem_shared>> -> memref<10112x16xf32, #tpu.memory_space<vmem_shared>>
      tpu.wait_indirect_dma semaphore(%run_scoped3A_118 : memref<!tpu.dma_semaphore, #tpu.memory_space<semaphore_mem>>) src(%arg10 : memref<128x16xf32, #tpu.memory_space<vmem>>) dst(%dma_wait3A_130 : memref<10112x16xf32, #tpu.memory_space<vmem_shared>>)
      tpu.yield
    }) : () -> ()
    %dma_wait3A_106 = arith.constant 0 : i32
    %dma_wait3A_107 = arith.constant 0 : i32
    %dma_wait3A_108 = tpu.memref_slice %arg2[%dma_wait3A_106, %dma_wait3A_107] : memref<10112x16xf32, #tpu.memory_space<hbm>> -> memref<128x16xf32, #tpu.memory_space<hbm>>
    %dma_wait3A_109 = arith.constant 0 : i32
    %dma_wait3A_110 = arith.constant 0 : i32
    %dma_wait3A_111 = tpu.memref_slice %arg2[%dma_wait3A_109, %dma_wait3A_110] : memref<10112x16xf32, #tpu.memory_space<hbm>> -> memref<128x16xf32, #tpu.memory_space<hbm>>
    tpu.wait_dma2 semaphore(%arg18 : memref<!tpu.dma_semaphore, #tpu.memory_space<semaphore_mem>>) src(%dma_wait3A_111 : memref<128x16xf32, #tpu.memory_space<hbm>>) dst(%arg11 : memref<128x16xf32, #tpu.memory_space<vmem>>)
    %run_scoped3A_112 = arith.constant 79 : i32
    "tpu.region"() ({
      %run_scoped3A_118 = tpu.sem_alloc : memref<!tpu.dma_semaphore, #tpu.memory_space<semaphore_mem>>
      %dma_start3A_119 = arith.constant 0 : i32
      %dma_start3A_120 = tpu.memref_slice %arg7[%run_scoped3A_112, %dma_start3A_119] : memref<80x128xi32, #tpu.memory_space<vmem>> -> memref<1x128xi32, #tpu.memory_space<vmem>>
      %dma_start3A_121 = tpu.memref_squeeze %dma_start3A_120 : memref<1x128xi32, #tpu.memory_space<vmem>> -> memref<128xi32, #tpu.memory_space<vmem>>
      %dma_start3A_122 = arith.constant 0 : i32
      %dma_start3A_123 = arith.constant 0 : i32
      %dma_start3A_124 = tpu.memref_slice %arg13[%dma_start3A_122, %dma_start3A_123] : memref<10112x16xf32, #tpu.memory_space<vmem_shared>> -> memref<10112x16xf32, #tpu.memory_space<vmem_shared>>
      tpu.enqueue_indirect_dma source(%arg11 : memref<128x16xf32, #tpu.memory_space<vmem>>) target(%dma_start3A_124 : memref<10112x16xf32, #tpu.memory_space<vmem_shared>>) offsets(%dma_start3A_121 : memref<128xi32, #tpu.memory_space<vmem>>) semaphore(%run_scoped3A_118 : memref<!tpu.dma_semaphore, #tpu.memory_space<semaphore_mem>>) {add = true}
      %dma_wait3A_125 = arith.constant 0 : i32
      %dma_wait3A_126 = tpu.memref_slice %arg7[%run_scoped3A_112, %dma_wait3A_125] : memref<80x128xi32, #tpu.memory_space<vmem>> -> memref<1x128xi32, #tpu.memory_space<vmem>>
      %dma_wait3A_127 = tpu.memref_squeeze %dma_wait3A_126 : memref<1x128xi32, #tpu.memory_space<vmem>> -> memref<128xi32, #tpu.memory_space<vmem>>
      %dma_wait3A_128 = arith.constant 0 : i32
      %dma_wait3A_129 = arith.constant 0 : i32
      %dma_wait3A_130 = tpu.memref_slice %arg13[%dma_wait3A_128, %dma_wait3A_129] : memref<10112x16xf32, #tpu.memory_space<vmem_shared>> -> memref<10112x16xf32, #tpu.memory_space<vmem_shared>>
      tpu.wait_indirect_dma semaphore(%run_scoped3A_118 : memref<!tpu.dma_semaphore, #tpu.memory_space<semaphore_mem>>) src(%arg11 : memref<128x16xf32, #tpu.memory_space<vmem>>) dst(%dma_wait3A_130 : memref<10112x16xf32, #tpu.memory_space<vmem_shared>>)
      tpu.yield
    }) : () -> ()
    %barrier3A_113 = arith.constant 0 : index
    tpu.barrier barrier_id(%barrier3A_113)
    %mul3A_114 = arith.constant 632 : i32
    %mul3A_115 = arith.muli %arg1, %mul3A_114 : i32
    %mul3A_116 = arith.constant 632 : i32
    %mul3A_117 = arith.muli %arg1, %mul3A_116 : i32
    "tpu.region"() ({
      %run_scoped3A_118 = tpu.sem_alloc : memref<!tpu.dma_semaphore, #tpu.memory_space<semaphore_mem>>
      %dma_start3A_119 = arith.constant 0 : i32
      %dma_start3A_120 = tpu.memref_slice %arg5[%arg0, %mul3A_117, %dma_start3A_119] : memref<2x10112x16xf32, #tpu.memory_space<hbm>> -> memref<1x632x16xf32, #tpu.memory_space<hbm>>
      %dma_start3A_121 = tpu.memref_squeeze %dma_start3A_120 : memref<1x632x16xf32, #tpu.memory_space<hbm>> -> memref<632x16xf32, #tpu.memory_space<hbm>>
      %dma_start3A_122 = arith.constant 0 : i32
      %dma_start3A_123 = tpu.memref_slice %arg13[%mul3A_115, %dma_start3A_122] : memref<10112x16xf32, #tpu.memory_space<vmem_shared>> -> memref<632x16xf32, #tpu.memory_space<vmem_shared>>
      tpu.enqueue_dma source(%dma_start3A_123 : memref<632x16xf32, #tpu.memory_space<vmem_shared>>) target(%dma_start3A_121 : memref<632x16xf32, #tpu.memory_space<hbm>>) target_semaphore(%run_scoped3A_118 : memref<!tpu.dma_semaphore, #tpu.memory_space<semaphore_mem>>)
      %dma_wait3A_124 = arith.constant 0 : i32
      %dma_wait3A_125 = tpu.memref_slice %arg5[%arg0, %mul3A_117, %dma_wait3A_124] : memref<2x10112x16xf32, #tpu.memory_space<hbm>> -> memref<1x632x16xf32, #tpu.memory_space<hbm>>
      %dma_wait3A_126 = tpu.memref_squeeze %dma_wait3A_125 : memref<1x632x16xf32, #tpu.memory_space<hbm>> -> memref<632x16xf32, #tpu.memory_space<hbm>>
      %dma_wait3A_127 = arith.constant 0 : i32
      %dma_wait3A_128 = tpu.memref_slice %arg13[%mul3A_115, %dma_wait3A_127] : memref<10112x16xf32, #tpu.memory_space<vmem_shared>> -> memref<632x16xf32, #tpu.memory_space<vmem_shared>>
      tpu.wait_dma2 semaphore(%run_scoped3A_118 : memref<!tpu.dma_semaphore, #tpu.memory_space<semaphore_mem>>) src(%dma_wait3A_128 : memref<632x16xf32, #tpu.memory_space<vmem_shared>>) dst(%dma_wait3A_126 : memref<632x16xf32, #tpu.memory_space<hbm>>)
      tpu.yield
    }) : () -> ()
    return
  }
}

module attributes {stable_mosaic.version = 14 : i64} {
  func.func @_stage1_tc(%arg0: memref<10000x128xf32, #tpu.memory_space<vmem>>, %arg1: memref<128x16xf32, #tpu.memory_space<vmem>>, %arg2: memref<2x10112x8xf32, #tpu.memory_space<vmem>>, %arg3: memref<10112x16xf32, #tpu.memory_space<vmem>>, %arg4: memref<10000x1xf32, #tpu.memory_space<vmem>>) attributes {dimension_semantics = [], scalar_prefetch = 0 : i64, scratch_operands = 0 : i64, tpu.core_type = #tpu.core_type<tc>} {
    %get3A = arith.constant 0 : index
    %get3A_0 = arith.constant 0 : index
    %get3A_1 = arith.constant 0 : index
    %get3A_2 = vector.load %arg2[%get3A, %get3A_0, %get3A_1] : memref<2x10112x8xf32, #tpu.memory_space<vmem>>, vector<1x10000x1xf32>
    %get3A_3 = vector.shape_cast %get3A_2 : vector<1x10000x1xf32> to vector<10000x1xf32>
    %get3A_4 = arith.constant 1 : index
    %get3A_5 = arith.constant 0 : index
    %get3A_6 = arith.constant 0 : index
    %get3A_7 = vector.load %arg2[%get3A_4, %get3A_5, %get3A_6] : memref<2x10112x8xf32, #tpu.memory_space<vmem>>, vector<1x10000x1xf32>
    %get3A_8 = vector.shape_cast %get3A_7 : vector<1x10000x1xf32> to vector<10000x1xf32>
    %add3A = arith.addf %get3A_3, %get3A_8 : vector<10000x1xf32>
    %add3A_9 = arith.constant 1.000000e+00 : f32
    %add3A_10 = vector.broadcast %add3A_9 : f32 to vector<10000x1xf32>
    %add3A_11 = arith.addf %add3A, %add3A_10 : vector<10000x1xf32>
    %rsqrt3A = math.rsqrt %add3A_11 : vector<10000x1xf32>
    %get3A_12 = arith.constant 0 : index
    %get3A_13 = arith.constant 0 : index
    %get3A_14 = vector.load %arg0[%get3A_12, %get3A_13] : memref<10000x128xf32, #tpu.memory_space<vmem>>, vector<10000x128xf32>
    %get3A_15 = arith.constant 0 : index
    %get3A_16 = arith.constant 0 : index
    %get3A_17 = vector.load %arg1[%get3A_15, %get3A_16] : memref<128x16xf32, #tpu.memory_space<vmem>>, vector<128x16xf32>
    %dot_general3A = arith.constant dense<0.000000e+00> : vector<10000x16xf32>
    %dot_general3A_18 = tpu.matmul %get3A_14, %get3A_17, %dot_general3A {dimension_numbers = #tpu.dot_dimension_numbers<[1], [0], [0], [1], [0, 0, 1, 1], [], []>, transpose_lhs_hint = false} : vector<10000x128xf32>, vector<128x16xf32>, vector<10000x16xf32> -> vector<10000x16xf32>
    %mul3A = vector.broadcast %rsqrt3A : vector<10000x1xf32> to vector<10000x16xf32>
    %mul3A_19 = arith.mulf %dot_general3A_18, %mul3A : vector<10000x16xf32>
    %swap3A = arith.constant 0 : index
    %swap3A_20 = arith.constant 0 : index
    %swap3A_21 = vector.load %arg3[%swap3A, %swap3A_20] : memref<10112x16xf32, #tpu.memory_space<vmem>>, vector<10000x16xf32>
    tpu.vector_store %arg3[%swap3A, %swap3A_20], %mul3A_19 {strides = array<i32>} : memref<10112x16xf32, #tpu.memory_space<vmem>>, vector<10000x16xf32>,
    %broadcast_in_dim3A = arith.constant 0.000000e+00 : f32
    %broadcast_in_dim3A_22 = vector.broadcast %broadcast_in_dim3A : f32 to vector<112x16xf32>
    %swap3A_23 = arith.constant 10000 : index
    %swap3A_24 = arith.constant 0 : index
    %swap3A_25 = vector.load %arg3[%swap3A_23, %swap3A_24] : memref<10112x16xf32, #tpu.memory_space<vmem>>, vector<112x16xf32>
    tpu.vector_store %arg3[%swap3A_23, %swap3A_24], %broadcast_in_dim3A_22 {strides = array<i32>} : memref<10112x16xf32, #tpu.memory_space<vmem>>, vector<112x16xf32>,
    %swap3A_26 = arith.constant 0 : index
    %swap3A_27 = arith.constant 0 : index
    %swap3A_28 = vector.load %arg4[%swap3A_26, %swap3A_27] : memref<10000x1xf32, #tpu.memory_space<vmem>>, vector<10000x1xf32>
    tpu.vector_store %arg4[%swap3A_26, %swap3A_27], %rsqrt3A {strides = array<i32>} : memref<10000x1xf32, #tpu.memory_space<vmem>>, vector<10000x1xf32>,
    return
  }
}

module attributes {stable_mosaic.version = 14 : i64} {
  func.func @_stage2_tc(%arg0: memref<2x10112x16xf32, #tpu.memory_space<vmem>>, %arg1: memref<10112x16xf32, #tpu.memory_space<vmem>>, %arg2: memref<10000x1xf32, #tpu.memory_space<vmem>>, %arg3: memref<16x16xf32, #tpu.memory_space<vmem>>, %arg4: memref<1x16xf32, #tpu.memory_space<vmem>>, %arg5: memref<10112x16xf32, #tpu.memory_space<vmem>>) attributes {dimension_semantics = [], scalar_prefetch = 0 : i64, scratch_operands = 0 : i64, tpu.core_type = #tpu.core_type<tc>} {
    %get3A = arith.constant 0 : index
    %get3A_0 = arith.constant 0 : index
    %get3A_1 = vector.load %arg2[%get3A, %get3A_0] : memref<10000x1xf32, #tpu.memory_space<vmem>>, vector<10000x1xf32>
    %get3A_2 = arith.constant 0 : index
    %get3A_3 = arith.constant 0 : index
    %get3A_4 = arith.constant 0 : index
    %get3A_5 = vector.load %arg0[%get3A_2, %get3A_3, %get3A_4] : memref<2x10112x16xf32, #tpu.memory_space<vmem>>, vector<1x10000x16xf32>
    %get3A_6 = vector.shape_cast %get3A_5 : vector<1x10000x16xf32> to vector<10000x16xf32>
    %get3A_7 = arith.constant 1 : index
    %get3A_8 = arith.constant 0 : index
    %get3A_9 = arith.constant 0 : index
    %get3A_10 = vector.load %arg0[%get3A_7, %get3A_8, %get3A_9] : memref<2x10112x16xf32, #tpu.memory_space<vmem>>, vector<1x10000x16xf32>
    %get3A_11 = vector.shape_cast %get3A_10 : vector<1x10000x16xf32> to vector<10000x16xf32>
    %add3A = arith.addf %get3A_6, %get3A_11 : vector<10000x16xf32>
    %get3A_12 = arith.constant 0 : index
    %get3A_13 = arith.constant 0 : index
    %get3A_14 = vector.load %arg1[%get3A_12, %get3A_13] : memref<10112x16xf32, #tpu.memory_space<vmem>>, vector<10000x16xf32>
    %add3A_15 = arith.addf %add3A, %get3A_14 : vector<10000x16xf32>
    %mul3A = vector.broadcast %get3A_1 : vector<10000x1xf32> to vector<10000x16xf32>
    %mul3A_16 = arith.mulf %add3A_15, %mul3A : vector<10000x16xf32>
    %get3A_17 = arith.constant 0 : index
    %get3A_18 = arith.constant 0 : index
    %get3A_19 = vector.load %arg4[%get3A_17, %get3A_18] : memref<1x16xf32, #tpu.memory_space<vmem>>, vector<1x16xf32>
    %add3A_20 = vector.broadcast %get3A_19 : vector<1x16xf32> to vector<10000x16xf32>
    %add3A_21 = arith.addf %mul3A_16, %add3A_20 : vector<10000x16xf32>
    %max3A = arith.constant 0.000000e+00 : f32
    %max3A_22 = vector.broadcast %max3A : f32 to vector<10000x16xf32>
    %max3A_23 = arith.maximumf %add3A_21, %max3A_22 : vector<10000x16xf32>
    %get3A_24 = arith.constant 0 : index
    %get3A_25 = arith.constant 0 : index
    %get3A_26 = vector.load %arg3[%get3A_24, %get3A_25] : memref<16x16xf32, #tpu.memory_space<vmem>>, vector<16x16xf32>
    %dot_general3A = arith.constant dense<0.000000e+00> : vector<10000x16xf32>
    %dot_general3A_27 = tpu.matmul %max3A_23, %get3A_26, %dot_general3A {dimension_numbers = #tpu.dot_dimension_numbers<[1], [0], [0], [1], [0, 0, 1, 1], [], []>, transpose_lhs_hint = false} : vector<10000x16xf32>, vector<16x16xf32>, vector<10000x16xf32> -> vector<10000x16xf32>
    %mul3A_28 = vector.broadcast %get3A_1 : vector<10000x1xf32> to vector<10000x16xf32>
    %mul3A_29 = arith.mulf %dot_general3A_27, %mul3A_28 : vector<10000x16xf32>
    %swap3A = arith.constant 0 : index
    %swap3A_30 = arith.constant 0 : index
    %swap3A_31 = vector.load %arg5[%swap3A, %swap3A_30] : memref<10112x16xf32, #tpu.memory_space<vmem>>, vector<10000x16xf32>
    tpu.vector_store %arg5[%swap3A, %swap3A_30], %mul3A_29 {strides = array<i32>} : memref<10112x16xf32, #tpu.memory_space<vmem>>, vector<10000x16xf32>,
    %broadcast_in_dim3A = arith.constant 0.000000e+00 : f32
    %broadcast_in_dim3A_32 = vector.broadcast %broadcast_in_dim3A : f32 to vector<112x16xf32>
    %swap3A_33 = arith.constant 10000 : index
    %swap3A_34 = arith.constant 0 : index
    %swap3A_35 = vector.load %arg5[%swap3A_33, %swap3A_34] : memref<10112x16xf32, #tpu.memory_space<vmem>>, vector<112x16xf32>
    tpu.vector_store %arg5[%swap3A_33, %swap3A_34], %broadcast_in_dim3A_32 {strides = array<i32>} : memref<10112x16xf32, #tpu.memory_space<vmem>>, vector<112x16xf32>,
    return
  }
}

module attributes {stable_mosaic.version = 14 : i64} {
  func.func @_stage3_tc(%arg0: memref<2x10112x16xf32, #tpu.memory_space<vmem>>, %arg1: memref<10112x16xf32, #tpu.memory_space<vmem>>, %arg2: memref<10000x1xf32, #tpu.memory_space<vmem>>, %arg3: memref<1x16xf32, #tpu.memory_space<vmem>>, %arg4: memref<10000x16xf32, #tpu.memory_space<vmem>>) attributes {dimension_semantics = [], scalar_prefetch = 0 : i64, scratch_operands = 0 : i64, tpu.core_type = #tpu.core_type<tc>} {
    %get3A = arith.constant 0 : index
    %get3A_0 = arith.constant 0 : index
    %get3A_1 = arith.constant 0 : index
    %get3A_2 = vector.load %arg0[%get3A, %get3A_0, %get3A_1] : memref<2x10112x16xf32, #tpu.memory_space<vmem>>, vector<1x10000x16xf32>
    %get3A_3 = vector.shape_cast %get3A_2 : vector<1x10000x16xf32> to vector<10000x16xf32>
    %get3A_4 = arith.constant 1 : index
    %get3A_5 = arith.constant 0 : index
    %get3A_6 = arith.constant 0 : index
    %get3A_7 = vector.load %arg0[%get3A_4, %get3A_5, %get3A_6] : memref<2x10112x16xf32, #tpu.memory_space<vmem>>, vector<1x10000x16xf32>
    %get3A_8 = vector.shape_cast %get3A_7 : vector<1x10000x16xf32> to vector<10000x16xf32>
    %add3A = arith.addf %get3A_3, %get3A_8 : vector<10000x16xf32>
    %get3A_9 = arith.constant 0 : index
    %get3A_10 = arith.constant 0 : index
    %get3A_11 = vector.load %arg1[%get3A_9, %get3A_10] : memref<10112x16xf32, #tpu.memory_space<vmem>>, vector<10000x16xf32>
    %add3A_12 = arith.addf %add3A, %get3A_11 : vector<10000x16xf32>
    %get3A_13 = arith.constant 0 : index
    %get3A_14 = arith.constant 0 : index
    %get3A_15 = vector.load %arg2[%get3A_13, %get3A_14] : memref<10000x1xf32, #tpu.memory_space<vmem>>, vector<10000x1xf32>
    %mul3A = vector.broadcast %get3A_15 : vector<10000x1xf32> to vector<10000x16xf32>
    %mul3A_16 = arith.mulf %add3A_12, %mul3A : vector<10000x16xf32>
    %get3A_17 = arith.constant 0 : index
    %get3A_18 = arith.constant 0 : index
    %get3A_19 = vector.load %arg3[%get3A_17, %get3A_18] : memref<1x16xf32, #tpu.memory_space<vmem>>, vector<1x16xf32>
    %add3A_20 = vector.broadcast %get3A_19 : vector<1x16xf32> to vector<10000x16xf32>
    %add3A_21 = arith.addf %mul3A_16, %add3A_20 : vector<10000x16xf32>
    %exp3A = math.exp %add3A_21 : vector<10000x16xf32>
    %reduce_sum3A = arith.constant dense<0.000000e+00> : vector<10000xf32>
    %reduce_sum3A_22 = vector.multi_reduction <add>, %exp3A, %reduce_sum3A [1] : vector<10000x16xf32> to vector<10000xf32>
    %broadcast_in_dim3A = vector.shape_cast %reduce_sum3A_22 : vector<10000xf32> to vector<10000x1xf32>
    %max3A = arith.constant 9.99999996E-13 : f32
    %max3A_23 = vector.broadcast %max3A : f32 to vector<10000x1xf32>
    %max3A_24 = arith.maximumf %broadcast_in_dim3A, %max3A_23 : vector<10000x1xf32>
    %div3A = vector.broadcast %max3A_24 : vector<10000x1xf32> to vector<10000x16xf32>
    %div3A_25 = arith.divf %exp3A, %div3A : vector<10000x16xf32>
    %swap3A = arith.constant 0 : index
    %swap3A_26 = arith.constant 0 : index
    %swap3A_27 = vector.load %arg4[%swap3A, %swap3A_26] : memref<10000x16xf32, #tpu.memory_space<vmem>>, vector<10000x16xf32>
    tpu.vector_store %arg4[%swap3A, %swap3A_26], %div3A_25 {strides = array<i32>} : memref<10000x16xf32, #tpu.memory_space<vmem>>, vector<10000x16xf32>,
    return
  }
}

</mosaic_0001>

<sc_bundles>
// kernel: kernel.11.cloned.1.call-start
scs
__scs_entry_jumppad:
0x0: {  	(pc) =	sbr.rel $0x88, $3  }
0x1: {  	(tag) =	ssettag $0x0;
	lr =	simm.s32 $0x1  }
0x2: {  	[smem:$0x3F9B] =	sst lr;
	_ =	strace $0xD0000000  }
0x3: {  	_ = 	snop  }
0x4: {  	_ = 	snop  }
0x5: {  	_ = 	snop  }
0x6: {  	_ = 	snop  }
0x7: {  	_ = 	snop  }
__scs_overlays_trampoline_lowered:
0x8: {  	[smem:$0x3FAA] =	sst s0  }
0x9: {  	[smem:$0x3FAB] =	sst s1  }
0xa: {  	[smem:$0x3FAC] =	sst s2  }
0xb: {  	[smem:$0x3FAD] =	sst s3  }
0xc: {  	[smem:$0x3FAE] =	sst s4  }
0xd: {  	[smem:$0x3FAF] =	sst s5  }
0xe: {  	[smem:$0x3FB0] =	sst s6  }
0xf: {  	[smem:$0x3FB1] =	sst s7  }
0x10: {  	[smem:$0x3FB2] =	sst s8  }
0x11: {  	[smem:$0x3FB3] =	sst s9;
	s0 =	simm.s32 @!p0 $0x0  }
0x12: {  	s1 =	sld [smem:$0x3F99];
	s0 =	simm.s32 @p0 $0x1  }
0x13: {  	[smem:$0x3FB4] =	sst s0;
	s0 =	simm.s32 @!p1 $0x0  }
0x14: {  	s2 =	sld [smem:$0x3F98];
	s0 =	simm.s32 @p1 $0x1  }
0x15: {  	[smem:$0x3FB5] =	sst s0;
	s0 =	simm.s32 @!p2 $0x0  }
0x16: {  	s3 =	sld [smem:$0x3FDB];
	s0 =	simm.s32 @p2 $0x1  }
0x17: {  	s4 =	simm.s32 $0x1BF5;
	[smem:$0x3FB7] =	sst s0  }
0x18: {  	s0 =	sld [smem:$0x3F9A];
	_ =	swait.ge [sflag:s4], $0x0  }
0x19: {  	s7 =	sld [smem:$0x3F9B]  }
0x1a: {  	s8 =	sadd.s32 $0xFFFFE003, lr  }
0x1b: {  	s9 =	sadd.s32 $0xFFFFFEF7, lr;
	s5 =	simm.s32 $0xFFFFFFFF;
	p2 =	slt.u32 s8, $0xFFFFF086  }
0x1c: {  	p1 =	slt.u32 s9, $0xF7A;
	s5 =	simm.s32 @!p2 $0x0  }
0x1d: {  	s5 =	simm.s32 @p1 $0x1;
	p0 =	seq.s32 s7, s2  }
0x1e: {  	s7 =	smul.u32 @!p0 $0xF7A, s2;
	p2 =	seq.s32 @!p0 s5, $0x0  }
0x1f: {  	s9 =	smul.u32 $0xF7A, s1;
	s8 =	simm.s32 @!p0 $0x1BF5;
	p2 =	por !p2, p0  }
0x20: {  	[sflag:s8] =	ssyncset.s32 @!p0 $0xFFFFF086;
	s6 =	sadd.s32 @!p0 s3, s7;
	s7 =	simm.s32 @!p0 $0x108  }
0x21: {  	s3 =	sadd.s32 s3, s9;
	s6 =	sadd.s32 @!p0 $0x88, s6;
	s7 =	simm.s32 @p2 $0x1082  }
0x22: {  	[simem:s7], [sflag:s8] =	dma.local @!p0 [hbm:s6], $0xF7A  }
0x23: {  	s9 =	sor.u32 $0xD0000000, s2;
	s6 =	simm.s32 $0x108;
	_ =	swait.ge @!p0 [sflag:s8], $0x0  }
0x24: {  	s3 =	sadd.s32 $0x88, s3;
	s6 =	simm.s32 @!p1 $0x1082;
	[sflag:s4] =	ssyncset.s32 $0xFFFFF086  }
0x25: {  	[simem:s6], [sflag:s4] =	dma.local [hbm:s3], $0xF7A  }
0x26: {  	[smem:$0x3F9B] =	sst s1;
	(tag) =	ssettag s2;
	_ =	strace s9  }
0x27: {  	s1 =	sld [smem:$0x3FAB]  }
0x28: {  	s2 =	sld [smem:$0x3FAC]  }
0x29: {  	s4 =	sld [smem:$0x3FAE]  }
0x2a: {  	p0 =	seq.s32 s5, $0x0;
	s5 =	sld [smem:$0x3FAF]  }
0x2b: {  	s6 =	sld [smem:$0x3FB0]  }
0x2c: {  	s7 =	sld [smem:$0x3FB1]  }
0x2d: {  	s3 =	simm.s32 $0x108;
	s8 =	sld [smem:$0x3FB2]  }
0x2e: {  	s3 =	simm.s32 @!p0 $0x1082;
	s9 =	sld [smem:$0x3FB3]  }
0x2f: {  	lr =	sadd.s32 s0, s3;
	s0 =	sld [smem:$0x3FAA]  }
0x30: {  	s3 =	sld [smem:$0x3FAD]  }
0x31: {  	[smem:$0x3FB6] =	sst s10  }
0x32: {  	s10 =	sld [smem:$0x3FB4];
	_ =	sdelay $0x3  }
0x33: {  	p0 =	seq.s32 s10, $0x1;
	s10 =	sld [smem:$0x3FB6];
	_ =	sdelay $0x3  }
0x34: {  	[smem:$0x3FB6] =	sst s10  }
0x35: {  	s10 =	sld [smem:$0x3FB5];
	_ =	sdelay $0x3  }
0x36: {  	p1 =	seq.s32 s10, $0x1;
	s10 =	sld [smem:$0x3FB6];
	_ =	sdelay $0x3  }
0x37: {  	[smem:$0x3FB6] =	sst s10  }
0x38: {  	s10 =	sld [smem:$0x3FB7]  }
0x39: {  	_ = 	snop;
	(pc) =	sbr.ind lr, $3  }
0x3a: {  	_ = 	snop  }
0x3b: {  	_ = 	snop  }
0x3c: {  	p2 =	seq.s32 s10, $0x1;
	s10 =	sld [smem:$0x3FB6]  }
0x3d: {  	_ =	shalt  }
0x3e: {  	_ =	shalt  }
0x3f: {  	_ =	shalt  }
0x40: {  	_ =	shalt  }
0x41: {  	_ =	shalt  }
0x42: {  	_ =	shalt  }
0x43: {  	_ =	shalt  }
0x44: {  	_ =	shalt  }
0x45: {  	_ =	shalt  }
0x46: {  	_ =	shalt  }
0x47: {  	_ =	shalt  }
0x48: {  	_ =	shalt  }
0x49: {  	_ =	shalt  }
0x4a: {  	_ =	shalt  }
0x4b: {  	_ =	shalt  }
0x4c: {  	_ =	shalt  }
0x4d: {  	_ =	shalt  }
0x4e: {  	_ =	shalt  }
0x4f: {  	_ =	shalt  }
0x50: {  	_ =	shalt  }
0x51: {  	_ =	shalt  }
0x52: {  	_ =	shalt  }
0x53: {  	_ =	shalt  }
0x54: {  	_ =	shalt  }
0x55: {  	_ =	shalt  }
0x56: {  	_ =	shalt  }
0x57: {  	_ =	shalt  }
0x58: {  	_ =	shalt  }
0x59: {  	_ =	shalt  }
0x5a: {  	_ =	shalt  }
0x5b: {  	_ =	shalt  }
0x5c: {  	_ =	shalt  }
0x5d: {  	_ =	shalt  }
0x5e: {  	_ =	shalt  }
0x5f: {  	_ =	shalt  }
0x60: {  	_ =	shalt  }
0x61: {  	_ =	shalt  }
0x62: {  	_ =	shalt  }
0x63: {  	_ =	shalt  }
0x64: {  	_ =	shalt  }
0x65: {  	_ =	shalt  }
0x66: {  	_ =	shalt  }
0x67: {  	_ =	shalt  }
0x68: {  	_ =	shalt  }
0x69: {  	_ =	shalt  }
0x6a: {  	_ =	shalt  }
0x6b: {  	_ =	shalt  }
0x6c: {  	_ =	shalt  }
0x6d: {  	_ =	shalt  }
0x6e: {  	_ =	shalt  }
0x6f: {  	_ =	shalt  }
0x70: {  	_ =	shalt  }
0x71: {  	_ =	shalt  }
0x72: {  	_ =	shalt  }
0x73: {  	_ =	shalt  }
0x74: {  	_ =	shalt  }
0x75: {  	_ =	shalt  }
0x76: {  	_ =	shalt  }
0x77: {  	_ =	shalt  }
0x78: {  	_ =	shalt  }
0x79: {  	_ =	shalt  }
0x7a: {  	_ =	shalt  }
0x7b: {  	_ =	shalt  }
0x7c: {  	_ =	shalt  }
0x7d: {  	_ =	shalt  }
0x7e: {  	_ =	shalt  }
0x7f: {  	_ =	shalt  }
0x80: {  	_ =	shalt  }
0x81: {  	_ =	shalt  }
0x82: {  	_ =	shalt  }
0x83: {  	_ =	shalt  }
0x84: {  	_ =	shalt  }
0x85: {  	_ =	shalt  }
0x86: {  	_ =	shalt  }
0x87: {  	_ =	shalt  }
.Lfunc_end0:
.L_simem_size_0:
called_computation.1_lowered:
.L_overlay_start_0:
0x88: {  	s2 =	sld [smem:$0x3FD9]  }
0x89: {  	s3 =	sld [smem:$0x3FFE];
	_ =	sdelay $0x1  }
0x8a: {  	s1 =	srdreg.scid  }
0x8b: {  	s0 =	sand.u32 $0x1, s1  }
0x8c: {  	s17 =	sshll.u32 s0, $0xA;
	s2 =	sadd.s32 s3, s2  }
0x8d: {  	s2 =	sadd.s32 s2, s17  }
0x8e: {  	[smem:$0x3FC2] =	sst s2  }
0x8f: {  	_ = 	snop  }
0x90: {  	s2 =	sld [smem:$0x3FD0];
	(tm) =	ssettm $0x1  }
0x91: {  	s18 =	sld [smem:$0x3FFB];
	_ =	sdelay $0x3  }
0x92: {  	_ =	strace s18  }
0x93: {  	s3 =	sld [smem:$0x3FFC];
	_ =	sdelay $0x3  }
0x94: {  	_ =	strace s3  }
0x95: {  	s3 =	sld [smem:$0x3FFD];
	_ =	sdelay $0x3  }
0x96: {  	_ =	strace s3  }
0x97: {  	_ =	strace $0x8FFFFFFF  }
0x98: {  	s19 =	sld [smem:$0x3FDB];
	_ =	sdelay $0x1  }
0x99: {  	s4 =	simm.s32 $_scs_section_size  }
0x9a: {  	s5 =	simm.s32 $_size__tile_overlayer_lowered;
	s6 =	simm.s32 $_tile_overlayer_lowered  }
0x9b: {  	s22 =	simm.s32 $0x1BFF;
	s21 =	sshll.u32 s6, $0x1;
	s3 =	sadd.s32 s4, s19  }
0x9c: {  	s7 =	simm.s32 $0x0;
	s20 =	sshll.u32 s5, $0x1;
	s5 =	sadd.s32 s21, s3  }
0x9d: {  	[timem:s7], [sflag:s22] =	dma.local [hbm:s5], s20  }
0x9e: {  	_ =	swait.ge [sflag:s22], s20  }
0x9f: {  	s4 =	ssub.s32 $0x0, s20;
	[sflag:s22] =	ssyncset.done $0x0  }
0xa0: {  	[sflag:s22] =	ssyncadd.s32 s4;
	_ =	sdelay $0x1  }
0xa1: {  	s23 =	simm.s32 $0x1B8B  }
0xa2: {  	_ =	swait.ge [sflag:s23], $0x1  }
0xa3: {  	[sflag:s23] =	ssyncset.done $0x0  }
0xa4: {  	s25 =	simm.s32 $0x1B8E;
	s24 =	sld [smem:$0x3FFE];
	[sflag:s23] =	ssyncadd.s32 $0xFFFFFFFF  }
0xa5: {  	s26 =	simm.s32 $execute0_lowered;
	[smem:$0x3FD2] =	sst s25  }
0xa6: {  	s5 =	sshll.u32 s26, $0x1;
	_ =	strace $0x80000049;
	[dreg:$0x1] =	wrdreg $0xFFFFFFFF  }
0xa7: {  	s28 =	simm.s32 $_size_execute0_lowered;
	s3 =	sadd.s32 s3, s5;
	[dreg:$0x0] =	wrdreg $0x0  }
0xa8: {  	s5 =	sshll.u32 s28, $0x1;
	[dreg:$0x2] =	wrdreg s3  }
0xa9: {  	[dreg:$0x3] =	wrdreg s5  }
0xaa: {  	[dreg:$0x4] =	wrdreg $0xC0  }
0xab: {  	_ =	task [dreg:s7], $0x5FFFF  }
0xac: {  	[dreg:$0x1] =	wrdreg $0xFFFFFFFF  }
0xad: {  	[dreg:$0x0] =	wrdreg $0x60  }
0xae: {  	[dreg:$0x2] =	wrdreg s2  }
0xaf: {  	[dreg:$0x3] =	wrdreg s24  }
0xb0: {  	[dreg:$0x4] =	wrdreg $0xBF000  }
0xb1: {  	[dreg:$0x5] =	wrdreg $0x97800  }
0xb2: {  	[dreg:$0x6] =	wrdreg $0x9  }
0xb3: {  	_ =	task.clear_ibuf [dreg:s7], $0x7FFFF;
	_ =	strace $0x90000049  }
0xb4: {  	s29 =	simm.s32 $0x9;
	_ =	strace $0x8000004B  }
0xb5: {  	_ =	swait.ge [sflag:s29], $0x1  }
0xb6: {  	[sflag:s29] =	ssyncadd.s32 $0xFFFFFFFF  }
0xb7: {  	_ =	strace $0x9000004B  }
0xb8: {  	_ =	sfence  }
0xb9: {  	s30 =	sld [smem:$0x0];
	_ =	sdelay $0x2  }
0xba: {  	s31 =	sshll.u32 s1, $0xD;
	s1 =	sshrl.u32 s1, $0x2  }
0xbb: {  	s3 =	sand.u32 $0x4000, s31;
	s1 =	sadd.s32 s1, s30  }
0xbc: {  	s0 =	sor.u32 s3, s0;
	s1 =	sshll.u32 s1, $0x11  }
0xbd: {  	s0 =	sor.u32 s1, s0  }
0xbe: {  	s0 =	sadd.s32 $0x8F2B, s0  }
0xbf: {  	[sflag:s0] =	ssyncadd.remote.s32 $0x1  }
0xc0: {  	_ =	sfence.sel $0xFFFF  }
0xc1: {  	[dreg:$0x0] =	wrdreg $0xFFFFFFFF;
	(pc) =	sbr.abs _section_cstart, $3  }
0xc2: {  	[dreg:$0x1] =	wrdreg $0xFFFFFFFF  }
0xc3: {  	_ =	task.clear_ibuf [dreg:s7], $0x2FFFF;
	_ =	strace $0x9FFFFFFF  }
0xc4: {  	(tm) =	ssettm $0x7FFFFFFF  }
0xc5: {  	_ =	shalt  }
tec
execute0_lowered:
.L_overlay_start_1:
0x0: {  	(tag) =	ssettag $0x1  }
0x1: {  	s0 =	rddreg [dreg:$0x0]  }
0x2: {  	s1 =	rddreg [dreg:$0x1]  }
0x3: {  	s2 =	rddreg [dreg:$0x2]  }
0x4: {  	s3 =	rddreg [dreg:$0x3]  }
0x5: {  	s4 =	srdreg.scid;
	s11 =	stileid.u32;
	s16 =	simm.s32 $0x5  }
0x6: {  	s17 =	simm.s32 $0x1;
	s18 =	simm.s32 $0x2;
	s19 =	simm.s32 $0x3  }
0x7: {  	s20 =	simm.s32 $0x80;
	s21 =	simm.s32 $0x5000;
	s22 =	simm.s32 $0x5800  }
0x8: {  	s24 =	simm.s32 $0x6000;
	s25 =	simm.s32 $0x180;
	s28 =	simm.s32 $0x4  }
0x9: {  	s29 =	simm.s32 $0x4E00;
	s30 =	simm.s32 $0x4E80;
	s31 =	simm.s32 $0x4F00  }
0xa: {  	s5 =	sand.u32 $0x1, s4;
	s10 =	smul.u32 $0x2780, s11;
	s4 =	simm.s32 $0x0  }
0xb: {  	s6 =	sshll.u32 s5, $0x4;
	s7 =	smul.u32 $0x27800, s5;
	[smem:$0x7FF] =	sst s4  }
0xc: {  	s5 =	ssub.s32 $0x2, s5;
	s6 =	sor.u32 s11, s6;
	_ =	strace $0x8000004A  }
0xd: {  	s8 =	sshrl.u32 s5, $0x1;
	s13 =	sadd.s32 s10, s2;
	s26 =	sshrl.u32 s10, $0x3  }
0xe: {  	s6 =	smul.u32 $0x500, s6;
	s7 =	sadd.s32 s10, s7;
	s12 =	ssub.s32 s5, s8  }
0xf: {  	s5 =	sshll.u32 s11, $0x6;
	s10 =	sadd.s32 s10, s3;
	s13 =	sshrl.u32 s13, $0x3  }
0x10: {  	s7 =	sshrl.u32 s7, $0x3;
	s12 =	smax.u32 s12, $0x1;
	s9 =	sadd.s32 s6, s1  }
0x11: {  	s1 =	sadd.s32 s7, s1;
	s6 =	sadd.s32 s0, s26;
	s7 =	sor.u32 $0x1C01, s5  }
0x12: {  	s26 =	simm.s32 $0x6800;
	s0 =	simm.s32 $0x4F80;
	s8 =	sadd.s32 $0xBC00, s9  }
0x13: {  	v0 =	vimm.f32 $0.0e+00;
	s9 =	sadd.s32 $0x1600, s9;
	s11 =	sadd.s32 $0x15C00, s1;
	s1 =	simm.s32 $0x0  }
.LBB2_1:
0x14: {  	[spmem:s13], [sflag:s7] =	dma.local [hbm:s6], $0x4F0  }
0x15: {  	[tilespmem:s4], [sflag:$0x2] =	stream.linear.gather [hbm4b:s8+s4], $0x2800, $0x38;
	[tilespmem:$0xE680] =	vst v63  }
0x16: {  	s14 =	simm.s32 $0x2800  }
0x17: {  	[tilespmem:s14], [sflag:$0x3] =	stream.linear.gather [hbm4b:s9+s4], $0x2800, $0x38;
	[tilespmem:$0xE680] =	vst v63  }
0x18: {  	s15 =	simm.s32 $0x0;
	s14 =	simm.s32 $0x40  }
.LBB2_2:
0x19: {  	p0 =	sne.s32 s14, $0x9DC0;
	[tilespmem:s15+$0x7000] =	vst v0;
	s15 =	smov.u32 s14;
	s14 =	sadd.s32 $0x40, s14  }
.Ltmp0:
0x1a: {  	(pc) =	sbr.rel @p0 .LBB2_2-.Ltmp0, $2  }
0x1b: {  	_ =	sdelay $0x2  }
0x1c: {  	s15 =	sshra.s32 s15, $0x2  }
0x1d: {  	[tilespmem:s15+$0x7000] =	vst v0;
	s14 =	simm.s32 $0x7000  }
0x1e: {  	[spmem:s10] =	stream.linear.scatter [tilespmem:s14], [sflag:$0x5], $0x2780, $0x38;
	[tilespmem:$0xE680] =	vst v63  }
0x1f: {  	_ =	swait.ge [sflag:s16], $0x2780  }
0x20: {  	[sflag:s16] =	ssyncset.done $0x0  }
0x21: {  	[sflag:s16] =	ssyncadd.s32 $0xFFFFD880  }
0x22: {  	_ =	swait.ge [sflag:s17], $0x4F0  }
0x23: {  	[sflag:s17] =	ssyncset.done $0x0  }
0x24: {  	[sflag:s17] =	ssyncadd.s32 $0xFFFFFB10  }
0x25: {  	_ =	swait.ge [sflag:s18], $0x2800  }
0x26: {  	[sflag:s18] =	ssyncset.done $0x0  }
0x27: {  	[sflag:s18] =	ssyncadd.s32 $0xFFFFD800  }
0x28: {  	_ =	swait.ge [sflag:s19], $0x2800  }
0x29: {  	[sflag:s19] =	ssyncset.done $0x0  }
0x2a: {  	[sflag:s19] =	ssyncadd.s32 $0xFFFFD800  }
0x2b: {  	s23 =	simm.s32 $0x0;
	[bflag:$0x0] =	sbarrier.arrive $0xFFFF  }
0x2c: {  	[tilespmem:s21], [sflag:$0x1] =	stream.indirect.gather [spmem:s2], $0x10, s23, s20, $0xb8;
	[tilespmem:$0xE680] =	vst v63  }
0x2d: {  	_ = 	snop  }
0x2e: {  	[tilespmem:s22], [sflag:$0x2] =	stream.indirect.gather [spmem:s2], $0x10, s20, s20, $0xb8;
	[tilespmem:$0xE680] =	vst v63  }
0x2f: {  	s15 =	simm.s32 $0x100  }
0x30: {  	[tilespmem:s24], [sflag:$0x3] =	stream.indirect.gather [spmem:s2], $0x10, s15, s20, $0xb8;
	[tilespmem:$0xE680] =	vst v63  }
0x31: {  	_ = 	snop  }
0x32: {  	[tilespmem:s26], [sflag:$0x4] =	stream.indirect.gather [spmem:s2], $0x10, s25, s20, $0xb8;
	[tilespmem:$0xE680] =	vst v63  }
0x33: {  	_ =	swait.ge [sflag:s17], $0x800  }
0x34: {  	[sflag:s17] =	ssyncset.done $0x0  }
0x35: {  	s23 =	simm.s32 $0x2800;
	[sflag:s17] =	ssyncadd.s32 $0xFFFFF800  }
0x36: {  	[spmem:s3] =	stream.indirect.scatter.add.f32 [tilespmem:s21], [sflag:$0x5], $0x10, s23, s20, $0xb8;
	[tilespmem:$0xE680] =	vst v63  }
0x37: {  	_ =	swait.ge [sflag:s16], $0x800  }
0x38: {  	[sflag:s16] =	ssyncset.done $0x0  }
0x39: {  	s15 =	simm.s32 $0x200;
	[sflag:s16] =	ssyncadd.s32 $0xFFFFF800  }
0x3a: {  	[tilespmem:s21], [sflag:$0x1] =	stream.indirect.gather [spmem:s2], $0x10, s15, s20, $0xb8;
	[tilespmem:$0xE680] =	vst v63  }
0x3b: {  	_ =	swait.ge [sflag:s18], $0x800  }
0x3c: {  	[sflag:s18] =	ssyncset.done $0x0  }
0x3d: {  	s23 =	simm.s32 $0x2880;
	[sflag:s18] =	ssyncadd.s32 $0xFFFFF800  }
0x3e: {  	[spmem:s3] =	stream.indirect.scatter.add.f32 [tilespmem:s22], [sflag:$0x5], $0x10, s23, s20, $0xb8;
	[tilespmem:$0xE680] =	vst v63  }
0x3f: {  	_ =	swait.ge [sflag:s16], $0x800  }
0x40: {  	[sflag:s16] =	ssyncset.done $0x0  }
0x41: {  	s15 =	simm.s32 $0x280;
	[sflag:s16] =	ssyncadd.s32 $0xFFFFF800  }
0x42: {  	[tilespmem:s22], [sflag:$0x2] =	stream.indirect.gather [spmem:s2], $0x10, s15, s20, $0xb8;
	[tilespmem:$0xE680] =	vst v63  }
0x43: {  	_ =	swait.ge [sflag:s19], $0x800  }
0x44: {  	[sflag:s19] =	ssyncset.done $0x0  }
0x45: {  	s23 =	simm.s32 $0x2900;
	[sflag:s19] =	ssyncadd.s32 $0xFFFFF800  }
0x46: {  	[spmem:s3] =	stream.indirect.scatter.add.f32 [tilespmem:s24], [sflag:$0x5], $0x10, s23, s20, $0xb8;
	[tilespmem:$0xE680] =	vst v63  }
0x47: {  	_ =	swait.ge [sflag:s16], $0x800  }
0x48: {  	[sflag:s16] =	ssyncset.done $0x0  }
0x49: {  	s15 =	simm.s32 $0x300;
	[sflag:s16] =	ssyncadd.s32 $0xFFFFF800  }
0x4a: {  	[tilespmem:s24], [sflag:$0x3] =	stream.indirect.gather [spmem:s2], $0x10, s15, s20, $0xb8;
	[tilespmem:$0xE680] =	vst v63  }
0x4b: {  	_ =	swait.ge [sflag:s28], $0x800  }
0x4c: {  	[sflag:s28] =	ssyncset.done $0x0  }
0x4d: {  	s23 =	simm.s32 $0x2980;
	[sflag:s28] =	ssyncadd.s32 $0xFFFFF800  }
0x4e: {  	[spmem:s3] =	stream.indirect.scatter.add.f32 [tilespmem:s26], [sflag:$0x5], $0x10, s23, s20, $0xb8;
	[tilespmem:$0xE680] =	vst v63  }
0x4f: {  	_ =	swait.ge [sflag:s16], $0x800  }
0x50: {  	[sflag:s16] =	ssyncset.done $0x0  }
0x51: {  	s14 =	simm.s32 $0x800;
	s15 =	simm.s32 $0x380;
	[sflag:s16] =	ssyncadd.s32 $0xFFFFF800  }
.LBB2_4:
0x52: {  	[tilespmem:s26], [sflag:$0x4] =	stream.indirect.gather [spmem:s2], $0x10, s15, s20, $0xb8;
	[tilespmem:$0xE680] =	vst v63  }
0x53: {  	s15 =	smov.u32 s14  }
0x54: {  	p0 =	sne.s32 s14, $0x9000;
	s14 =	sadd.s32 $0x800, s14;
	_ =	swait.ge [sflag:s17], $0x800  }
0x55: {  	s15 =	sshra.s32 s15, $0x2;
	[sflag:s17] =	ssyncset.done $0x0  }
0x56: {  	s23 =	sadd.s32 $0x2800, s15;
	[sflag:s17] =	ssyncadd.s32 $0xFFFFF800  }
0x57: {  	[spmem:s3] =	stream.indirect.scatter.add.f32 [tilespmem:s21], [sflag:$0x5], $0x10, s23, s20, $0xb8;
	[tilespmem:$0xE680] =	vst v63  }
0x58: {  	_ =	swait.ge [sflag:s16], $0x800  }
0x59: {  	[sflag:s16] =	ssyncset.done $0x0  }
0x5a: {  	s23 =	sadd.s32 $0x200, s15;
	[sflag:s16] =	ssyncadd.s32 $0xFFFFF800  }
0x5b: {  	[tilespmem:s21], [sflag:$0x1] =	stream.indirect.gather [spmem:s2], $0x10, s23, s20, $0xb8;
	[tilespmem:$0xE680] =	vst v63  }
0x5c: {  	_ =	swait.ge [sflag:s18], $0x800  }
0x5d: {  	[sflag:s18] =	ssyncset.done $0x0  }
0x5e: {  	s23 =	sadd.s32 $0x2880, s15;
	[sflag:s18] =	ssyncadd.s32 $0xFFFFF800  }
0x5f: {  	[spmem:s3] =	stream.indirect.scatter.add.f32 [tilespmem:s22], [sflag:$0x5], $0x10, s23, s20, $0xb8;
	[tilespmem:$0xE680] =	vst v63  }
0x60: {  	_ =	swait.ge [sflag:s16], $0x800  }
0x61: {  	[sflag:s16] =	ssyncset.done $0x0  }
0x62: {  	s23 =	sadd.s32 $0x280, s15;
	[sflag:s16] =	ssyncadd.s32 $0xFFFFF800  }
0x63: {  	[tilespmem:s22], [sflag:$0x2] =	stream.indirect.gather [spmem:s2], $0x10, s23, s20, $0xb8;
	[tilespmem:$0xE680] =	vst v63  }
0x64: {  	_ =	swait.ge [sflag:s19], $0x800  }
0x65: {  	[sflag:s19] =	ssyncset.done $0x0  }
0x66: {  	s23 =	sadd.s32 $0x2900, s15;
	[sflag:s19] =	ssyncadd.s32 $0xFFFFF800  }
0x67: {  	[spmem:s3] =	stream.indirect.scatter.add.f32 [tilespmem:s24], [sflag:$0x5], $0x10, s23, s20, $0xb8;
	[tilespmem:$0xE680] =	vst v63  }
0x68: {  	_ =	swait.ge [sflag:s16], $0x800  }
0x69: {  	[sflag:s16] =	ssyncset.done $0x0  }
0x6a: {  	s23 =	sadd.s32 $0x300, s15;
	[sflag:s16] =	ssyncadd.s32 $0xFFFFF800  }
0x6b: {  	[tilespmem:s24], [sflag:$0x3] =	stream.indirect.gather [spmem:s2], $0x10, s23, s20, $0xb8;
	[tilespmem:$0xE680] =	vst v63  }
0x6c: {  	_ =	swait.ge [sflag:s28], $0x800  }
0x6d: {  	[sflag:s28] =	ssyncset.done $0x0  }
.Ltmp1:
0x6e: {  	s23 =	sadd.s32 $0x2980, s15;
	[sflag:s28] =	ssyncadd.s32 $0xFFFFF800;
	(pc) =	sbr.rel @p0 .LBB2_4-.Ltmp1, $4  }
0x6f: {  	[spmem:s3] =	stream.indirect.scatter.add.f32 [tilespmem:s26], [sflag:$0x5], $0x10, s23, s20, $0xb8;
	[tilespmem:$0xE680] =	vst v63  }
0x70: {  	_ =	swait.ge [sflag:s16], $0x800  }
0x71: {  	[sflag:s16] =	ssyncset.done $0x0  }
0x72: {  	s15 =	sadd.s32 $0x380, s15;
	[sflag:s16] =	ssyncadd.s32 $0xFFFFF800  }
0x73: {  	[tilespmem:s26], [sflag:$0x4] =	stream.indirect.gather [spmem:s2], $0x10, s15, s20, $0xb8;
	[tilespmem:$0xE680] =	vst v63  }
0x74: {  	_ =	swait.ge [sflag:s17], $0x800  }
0x75: {  	[sflag:s17] =	ssyncset.done $0x0  }
0x76: {  	[sflag:s17] =	ssyncadd.s32 $0xFFFFF800  }
0x77: {  	[spmem:s3] =	stream.indirect.scatter.add.f32 [tilespmem:s21], [sflag:$0x5], $0x10, s29, s20, $0xb8;
	[tilespmem:$0xE680] =	vst v63  }
0x78: {  	_ =	swait.ge [sflag:s16], $0x800  }
0x79: {  	[sflag:s16] =	ssyncset.done $0x0  }
0x7a: {  	[sflag:s16] =	ssyncadd.s32 $0xFFFFF800  }
0x7b: {  	_ =	swait.ge [sflag:s18], $0x800  }
0x7c: {  	[sflag:s18] =	ssyncset.done $0x0  }
0x7d: {  	[sflag:s18] =	ssyncadd.s32 $0xFFFFF800  }
0x7e: {  	[spmem:s3] =	stream.indirect.scatter.add.f32 [tilespmem:s22], [sflag:$0x5], $0x10, s30, s20, $0xb8;
	[tilespmem:$0xE680] =	vst v63  }
0x7f: {  	_ =	swait.ge [sflag:s16], $0x800  }
0x80: {  	[sflag:s16] =	ssyncset.done $0x0  }
0x81: {  	[sflag:s16] =	ssyncadd.s32 $0xFFFFF800  }
0x82: {  	_ =	swait.ge [sflag:s19], $0x800  }
0x83: {  	[sflag:s19] =	ssyncset.done $0x0  }
0x84: {  	[sflag:s19] =	ssyncadd.s32 $0xFFFFF800  }
0x85: {  	[spmem:s3] =	stream.indirect.scatter.add.f32 [tilespmem:s24], [sflag:$0x5], $0x10, s31, s20, $0xb8;
	[tilespmem:$0xE680] =	vst v63  }
0x86: {  	_ =	swait.ge [sflag:s16], $0x800  }
0x87: {  	[sflag:s16] =	ssyncset.done $0x0  }
0x88: {  	[sflag:s16] =	ssyncadd.s32 $0xFFFFF800  }
0x89: {  	_ =	swait.ge [sflag:s28], $0x800  }
0x8a: {  	[sflag:s28] =	ssyncset.done $0x0  }
0x8b: {  	[sflag:s28] =	ssyncadd.s32 $0xFFFFF800  }
0x8c: {  	[spmem:s3] =	stream.indirect.scatter.add.f32 [tilespmem:s26], [sflag:$0x5], $0x10, s0, s20, $0xb8;
	[tilespmem:$0xE680] =	vst v63  }
0x8d: {  	_ =	swait.ge [sflag:s16], $0x800  }
0x8e: {  	s1 =	sadd.s32 $0x1, s1;
	[sflag:s16] =	ssyncset.done $0x0  }
0x8f: {  	s14 =	sor.u32 $0x1C05, s5;
	p0 =	sne.s32 s1, s12;
	[sflag:s16] =	ssyncadd.s32 $0xFFFFF800  }
.Ltmp2:
0x90: {  	s23 =	sshrl.u32 s10, $0x3;
	[bflag:$0x0] =	sbarrier.arrive $0xFFFF;
	(pc) =	sbr.rel @p0 .LBB2_1-.Ltmp2, $4  }
0x91: {  	[hbm:s11], [sflag:s14] =	dma.local [spmem:s23], $0x4F0  }
0x92: {  	_ =	swait.ge [sflag:s16], $0x4F0  }
0x93: {  	[sflag:s16] =	ssyncset.done $0x0  }
0x94: {  	[sflag:s16] =	ssyncadd.s32 $0xFFFFFB10  }
0x95: {  	_ =	sfence.sel $0x180000  }
0x96: {  	[bflag:$0x0] =	sbarrier.arrive $0xFFFF  }
0x97: {  	_ =	strace $0x9000004A  }
0x98: {  	s0 =	stileid.u32;
	[bflag:$0x2] =	sbarrier.arrive $0xFFFF  }
0x99: {  	p0 =	sne.s32 s0, $0x0;
	s0 =	rddreg [dreg:$0x4]  }
0x9a: {  	s0 =	sadd.s32 @!p0 $0x100000, s0  }
0x9b: {  	[sflag:s0] =	ssyncadd.tile.s32 @!p0 $0x1;
	_ =	shalt  }
.Lfunc_end2:
_tile_overlayer_lowered:
.L_overlay_start_2:
0x9c: {  	(tag) =	ssettag $0x2  }
0x9d: {  	s0 =	rddreg [dreg:$0x0];
	s2 =	stileid.u32  }
0x9e: {  	s1 =	rddreg [dreg:$0x1];
	p0 =	sne.s32 s2, $0x0  }
0x9f: {  	s3 =	rddreg [dreg:$0x2];
	[bflag:$0x3] =	sbarrier.arrive $0xFFFF;
	s2 =	simm.s32 @!p0 $0x1C05  }
0xa0: {  	[timem:s3], [sflag:s2] =	dma.local @!p0 [hbm:s0], s1  }
0xa1: {  	s0 =	simm.s32 @!p0 $0x5  }
0xa2: {  	_ =	swait.ge @!p0 [sflag:s0], s1  }
0xa3: {  	s1 =	ssub.s32 @!p0 $0x0, s1;
	[sflag:s0] =	ssyncset.done @!p0 $0x0  }
0xa4: {  	[sflag:s0] =	ssyncadd.s32 @!p0 s1  }
0xa5: {  	[bflag:$0x3] =	sbarrier.arrive $0xFFFF  }
0xa6: {  	_ =	shalt  }

// kernel: kernel.14.cloned.1.call-start
scs
__scs_entry_jumppad:
0x0: {  	(pc) =	sbr.rel $0x88, $3  }
0x1: {  	(tag) =	ssettag $0x0;
	lr =	simm.s32 $0x1  }
0x2: {  	[smem:$0x3F9B] =	sst lr;
	_ =	strace $0xD0000000  }
0x3: {  	_ = 	snop  }
0x4: {  	_ = 	snop  }
0x5: {  	_ = 	snop  }
0x6: {  	_ = 	snop  }
0x7: {  	_ = 	snop  }
__scs_overlays_trampoline_lowered:
0x8: {  	[smem:$0x3FAA] =	sst s0  }
0x9: {  	[smem:$0x3FAB] =	sst s1  }
0xa: {  	[smem:$0x3FAC] =	sst s2  }
0xb: {  	[smem:$0x3FAD] =	sst s3  }
0xc: {  	[smem:$0x3FAE] =	sst s4  }
0xd: {  	[smem:$0x3FAF] =	sst s5  }
0xe: {  	[smem:$0x3FB0] =	sst s6  }
0xf: {  	[smem:$0x3FB1] =	sst s7  }
0x10: {  	[smem:$0x3FB2] =	sst s8  }
0x11: {  	[smem:$0x3FB3] =	sst s9;
	s0 =	simm.s32 @!p0 $0x0  }
0x12: {  	s1 =	sld [smem:$0x3F99];
	s0 =	simm.s32 @p0 $0x1  }
0x13: {  	[smem:$0x3FB4] =	sst s0;
	s0 =	simm.s32 @!p1 $0x0  }
0x14: {  	s2 =	sld [smem:$0x3F98];
	s0 =	simm.s32 @p1 $0x1  }
0x15: {  	[smem:$0x3FB5] =	sst s0;
	s0 =	simm.s32 @!p2 $0x0  }
0x16: {  	s3 =	sld [smem:$0x3FDB];
	s0 =	simm.s32 @p2 $0x1  }
0x17: {  	s4 =	simm.s32 $0x1BF5;
	[smem:$0x3FB7] =	sst s0  }
0x18: {  	s0 =	sld [smem:$0x3F9A];
	_ =	swait.ge [sflag:s4], $0x0  }
0x19: {  	s7 =	sld [smem:$0x3F9B]  }
0x1a: {  	s8 =	sadd.s32 $0xFFFFE003, lr  }
0x1b: {  	s9 =	sadd.s32 $0xFFFFFEF7, lr;
	s5 =	simm.s32 $0xFFFFFFFF;
	p2 =	slt.u32 s8, $0xFFFFF086  }
0x1c: {  	p1 =	slt.u32 s9, $0xF7A;
	s5 =	simm.s32 @!p2 $0x0  }
0x1d: {  	s5 =	simm.s32 @p1 $0x1;
	p0 =	seq.s32 s7, s2  }
0x1e: {  	s7 =	smul.u32 @!p0 $0xF7A, s2;
	p2 =	seq.s32 @!p0 s5, $0x0  }
0x1f: {  	s9 =	smul.u32 $0xF7A, s1;
	s8 =	simm.s32 @!p0 $0x1BF5;
	p2 =	por !p2, p0  }
0x20: {  	[sflag:s8] =	ssyncset.s32 @!p0 $0xFFFFF086;
	s6 =	sadd.s32 @!p0 s3, s7;
	s7 =	simm.s32 @!p0 $0x108  }
0x21: {  	s3 =	sadd.s32 s3, s9;
	s6 =	sadd.s32 @!p0 $0x88, s6;
	s7 =	simm.s32 @p2 $0x1082  }
0x22: {  	[simem:s7], [sflag:s8] =	dma.local @!p0 [hbm:s6], $0xF7A  }
0x23: {  	s9 =	sor.u32 $0xD0000000, s2;
	s6 =	simm.s32 $0x108;
	_ =	swait.ge @!p0 [sflag:s8], $0x0  }
0x24: {  	s3 =	sadd.s32 $0x88, s3;
	s6 =	simm.s32 @!p1 $0x1082;
	[sflag:s4] =	ssyncset.s32 $0xFFFFF086  }
0x25: {  	[simem:s6], [sflag:s4] =	dma.local [hbm:s3], $0xF7A  }
0x26: {  	[smem:$0x3F9B] =	sst s1;
	(tag) =	ssettag s2;
	_ =	strace s9  }
0x27: {  	s1 =	sld [smem:$0x3FAB]  }
0x28: {  	s2 =	sld [smem:$0x3FAC]  }
0x29: {  	s4 =	sld [smem:$0x3FAE]  }
0x2a: {  	p0 =	seq.s32 s5, $0x0;
	s5 =	sld [smem:$0x3FAF]  }
0x2b: {  	s6 =	sld [smem:$0x3FB0]  }
0x2c: {  	s7 =	sld [smem:$0x3FB1]  }
0x2d: {  	s3 =	simm.s32 $0x108;
	s8 =	sld [smem:$0x3FB2]  }
0x2e: {  	s3 =	simm.s32 @!p0 $0x1082;
	s9 =	sld [smem:$0x3FB3]  }
0x2f: {  	lr =	sadd.s32 s0, s3;
	s0 =	sld [smem:$0x3FAA]  }
0x30: {  	s3 =	sld [smem:$0x3FAD]  }
0x31: {  	[smem:$0x3FB6] =	sst s10  }
0x32: {  	s10 =	sld [smem:$0x3FB4];
	_ =	sdelay $0x3  }
0x33: {  	p0 =	seq.s32 s10, $0x1;
	s10 =	sld [smem:$0x3FB6];
	_ =	sdelay $0x3  }
0x34: {  	[smem:$0x3FB6] =	sst s10  }
0x35: {  	s10 =	sld [smem:$0x3FB5];
	_ =	sdelay $0x3  }
0x36: {  	p1 =	seq.s32 s10, $0x1;
	s10 =	sld [smem:$0x3FB6];
	_ =	sdelay $0x3  }
0x37: {  	[smem:$0x3FB6] =	sst s10  }
0x38: {  	s10 =	sld [smem:$0x3FB7]  }
0x39: {  	_ = 	snop;
	(pc) =	sbr.ind lr, $3  }
0x3a: {  	_ = 	snop  }
0x3b: {  	_ = 	snop  }
0x3c: {  	p2 =	seq.s32 s10, $0x1;
	s10 =	sld [smem:$0x3FB6]  }
0x3d: {  	_ =	shalt  }
0x3e: {  	_ =	shalt  }
0x3f: {  	_ =	shalt  }
0x40: {  	_ =	shalt  }
0x41: {  	_ =	shalt  }
0x42: {  	_ =	shalt  }
0x43: {  	_ =	shalt  }
0x44: {  	_ =	shalt  }
0x45: {  	_ =	shalt  }
0x46: {  	_ =	shalt  }
0x47: {  	_ =	shalt  }
0x48: {  	_ =	shalt  }
0x49: {  	_ =	shalt  }
0x4a: {  	_ =	shalt  }
0x4b: {  	_ =	shalt  }
0x4c: {  	_ =	shalt  }
0x4d: {  	_ =	shalt  }
0x4e: {  	_ =	shalt  }
0x4f: {  	_ =	shalt  }
0x50: {  	_ =	shalt  }
0x51: {  	_ =	shalt  }
0x52: {  	_ =	shalt  }
0x53: {  	_ =	shalt  }
0x54: {  	_ =	shalt  }
0x55: {  	_ =	shalt  }
0x56: {  	_ =	shalt  }
0x57: {  	_ =	shalt  }
0x58: {  	_ =	shalt  }
0x59: {  	_ =	shalt  }
0x5a: {  	_ =	shalt  }
0x5b: {  	_ =	shalt  }
0x5c: {  	_ =	shalt  }
0x5d: {  	_ =	shalt  }
0x5e: {  	_ =	shalt  }
0x5f: {  	_ =	shalt  }
0x60: {  	_ =	shalt  }
0x61: {  	_ =	shalt  }
0x62: {  	_ =	shalt  }
0x63: {  	_ =	shalt  }
0x64: {  	_ =	shalt  }
0x65: {  	_ =	shalt  }
0x66: {  	_ =	shalt  }
0x67: {  	_ =	shalt  }
0x68: {  	_ =	shalt  }
0x69: {  	_ =	shalt  }
0x6a: {  	_ =	shalt  }
0x6b: {  	_ =	shalt  }
0x6c: {  	_ =	shalt  }
0x6d: {  	_ =	shalt  }
0x6e: {  	_ =	shalt  }
0x6f: {  	_ =	shalt  }
0x70: {  	_ =	shalt  }
0x71: {  	_ =	shalt  }
0x72: {  	_ =	shalt  }
0x73: {  	_ =	shalt  }
0x74: {  	_ =	shalt  }
0x75: {  	_ =	shalt  }
0x76: {  	_ =	shalt  }
0x77: {  	_ =	shalt  }
0x78: {  	_ =	shalt  }
0x79: {  	_ =	shalt  }
0x7a: {  	_ =	shalt  }
0x7b: {  	_ =	shalt  }
0x7c: {  	_ =	shalt  }
0x7d: {  	_ =	shalt  }
0x7e: {  	_ =	shalt  }
0x7f: {  	_ =	shalt  }
0x80: {  	_ =	shalt  }
0x81: {  	_ =	shalt  }
0x82: {  	_ =	shalt  }
0x83: {  	_ =	shalt  }
0x84: {  	_ =	shalt  }
0x85: {  	_ =	shalt  }
0x86: {  	_ =	shalt  }
0x87: {  	_ =	shalt  }
.Lfunc_end0:
.L_simem_size_0:
called_computation.2_lowered:
.L_overlay_start_0:
0x88: {  	s2 =	sld [smem:$0x3FD9]  }
0x89: {  	s3 =	sld [smem:$0x3FFE];
	_ =	sdelay $0x1  }
0x8a: {  	s1 =	srdreg.scid  }
0x8b: {  	s0 =	sand.u32 $0x1, s1  }
0x8c: {  	s17 =	sshll.u32 s0, $0xA;
	s2 =	sadd.s32 s3, s2  }
0x8d: {  	s2 =	sadd.s32 s2, s17  }
0x8e: {  	[smem:$0x3FC2] =	sst s2  }
0x8f: {  	_ = 	snop  }
0x90: {  	s2 =	sld [smem:$0x3FD0];
	(tm) =	ssettm $0x1  }
0x91: {  	s18 =	sld [smem:$0x3FFB];
	_ =	sdelay $0x3  }
0x92: {  	_ =	strace s18  }
0x93: {  	s3 =	sld [smem:$0x3FFC];
	_ =	sdelay $0x3  }
0x94: {  	_ =	strace s3  }
0x95: {  	s3 =	sld [smem:$0x3FFD];
	_ =	sdelay $0x3  }
0x96: {  	_ =	strace s3  }
0x97: {  	_ =	strace $0x8FFFFFFF  }
0x98: {  	s19 =	sld [smem:$0x3FDB];
	_ =	sdelay $0x1  }
0x99: {  	s4 =	simm.s32 $_scs_section_size  }
0x9a: {  	s5 =	simm.s32 $_size__tile_overlayer_lowered;
	s6 =	simm.s32 $_tile_overlayer_lowered  }
0x9b: {  	s22 =	simm.s32 $0x1BFF;
	s21 =	sshll.u32 s6, $0x1;
	s3 =	sadd.s32 s4, s19  }
0x9c: {  	s7 =	simm.s32 $0x0;
	s20 =	sshll.u32 s5, $0x1;
	s5 =	sadd.s32 s21, s3  }
0x9d: {  	[timem:s7], [sflag:s22] =	dma.local [hbm:s5], s20  }
0x9e: {  	_ =	swait.ge [sflag:s22], s20  }
0x9f: {  	s4 =	ssub.s32 $0x0, s20;
	[sflag:s22] =	ssyncset.done $0x0  }
0xa0: {  	[sflag:s22] =	ssyncadd.s32 s4;
	_ =	sdelay $0x1  }
0xa1: {  	s23 =	simm.s32 $0x1B8B  }
0xa2: {  	_ =	swait.ge [sflag:s23], $0x1  }
0xa3: {  	[sflag:s23] =	ssyncset.done $0x0  }
0xa4: {  	s25 =	simm.s32 $0x1B8E;
	s24 =	sld [smem:$0x3FFE];
	[sflag:s23] =	ssyncadd.s32 $0xFFFFFFFF  }
0xa5: {  	s26 =	simm.s32 $execute0_lowered;
	[smem:$0x3FD2] =	sst s25  }
0xa6: {  	s5 =	sshll.u32 s26, $0x1;
	_ =	strace $0x8000004C;
	[dreg:$0x1] =	wrdreg $0xFFFFFFFF  }
0xa7: {  	s28 =	simm.s32 $_size_execute0_lowered;
	s3 =	sadd.s32 s3, s5;
	[dreg:$0x0] =	wrdreg $0x0  }
0xa8: {  	s5 =	sshll.u32 s28, $0x1;
	[dreg:$0x2] =	wrdreg s3  }
0xa9: {  	[dreg:$0x3] =	wrdreg s5  }
0xaa: {  	[dreg:$0x4] =	wrdreg $0xC0  }
0xab: {  	_ =	task [dreg:s7], $0x5FFFF  }
0xac: {  	[dreg:$0x1] =	wrdreg $0xFFFFFFFF  }
0xad: {  	[dreg:$0x0] =	wrdreg $0x60  }
0xae: {  	[dreg:$0x2] =	wrdreg s2  }
0xaf: {  	[dreg:$0x3] =	wrdreg s24  }
0xb0: {  	[dreg:$0x4] =	wrdreg $0xBF000  }
0xb1: {  	[dreg:$0x5] =	wrdreg $0x97800  }
0xb2: {  	[dreg:$0x6] =	wrdreg $0x9  }
0xb3: {  	_ =	task.clear_ibuf [dreg:s7], $0x7FFFF;
	_ =	strace $0x9000004C  }
0xb4: {  	s29 =	simm.s32 $0x9;
	_ =	strace $0x8000004E  }
0xb5: {  	_ =	swait.ge [sflag:s29], $0x1  }
0xb6: {  	[sflag:s29] =	ssyncadd.s32 $0xFFFFFFFF  }
0xb7: {  	_ =	strace $0x9000004E  }
0xb8: {  	_ =	sfence  }
0xb9: {  	s30 =	sld [smem:$0x0];
	_ =	sdelay $0x2  }
0xba: {  	s31 =	sshll.u32 s1, $0xD;
	s1 =	sshrl.u32 s1, $0x2  }
0xbb: {  	s3 =	sand.u32 $0x4000, s31;
	s1 =	sadd.s32 s1, s30  }
0xbc: {  	s0 =	sor.u32 s3, s0;
	s1 =	sshll.u32 s1, $0x11  }
0xbd: {  	s0 =	sor.u32 s1, s0  }
0xbe: {  	s0 =	sadd.s32 $0x8F2B, s0  }
0xbf: {  	[sflag:s0] =	ssyncadd.remote.s32 $0x1  }
0xc0: {  	_ =	sfence.sel $0xFFFF  }
0xc1: {  	[dreg:$0x0] =	wrdreg $0xFFFFFFFF;
	(pc) =	sbr.abs _section_cstart, $3  }
0xc2: {  	[dreg:$0x1] =	wrdreg $0xFFFFFFFF  }
0xc3: {  	_ =	task.clear_ibuf [dreg:s7], $0x2FFFF;
	_ =	strace $0x9FFFFFFF  }
0xc4: {  	(tm) =	ssettm $0x7FFFFFFF  }
0xc5: {  	_ =	shalt  }
tec
execute0_lowered:
.L_overlay_start_1:
0x0: {  	(tag) =	ssettag $0x1  }
0x1: {  	s0 =	rddreg [dreg:$0x0]  }
0x2: {  	s1 =	rddreg [dreg:$0x1]  }
0x3: {  	s2 =	rddreg [dreg:$0x2]  }
0x4: {  	s3 =	rddreg [dreg:$0x3]  }
0x5: {  	s4 =	srdreg.scid;
	s11 =	stileid.u32;
	s16 =	simm.s32 $0x5  }
0x6: {  	s17 =	simm.s32 $0x1;
	s18 =	simm.s32 $0x2;
	s19 =	simm.s32 $0x3  }
0x7: {  	s20 =	simm.s32 $0x80;
	s21 =	simm.s32 $0x5000;
	s22 =	simm.s32 $0x5800  }
0x8: {  	s24 =	simm.s32 $0x6000;
	s25 =	simm.s32 $0x180;
	s28 =	simm.s32 $0x4  }
0x9: {  	s29 =	simm.s32 $0x4E00;
	s30 =	simm.s32 $0x4E80;
	s31 =	simm.s32 $0x4F00  }
0xa: {  	s5 =	sand.u32 $0x1, s4;
	s10 =	smul.u32 $0x2780, s11;
	s4 =	simm.s32 $0x0  }
0xb: {  	s6 =	sshll.u32 s5, $0x4;
	s7 =	smul.u32 $0x27800, s5;
	[smem:$0x7FF] =	sst s4  }
0xc: {  	s5 =	ssub.s32 $0x2, s5;
	s6 =	sor.u32 s11, s6;
	_ =	strace $0x8000004D  }
0xd: {  	s8 =	sshrl.u32 s5, $0x1;
	s13 =	sadd.s32 s10, s2;
	s26 =	sshrl.u32 s10, $0x3  }
0xe: {  	s6 =	smul.u32 $0x500, s6;
	s7 =	sadd.s32 s10, s7;
	s12 =	ssub.s32 s5, s8  }
0xf: {  	s5 =	sshll.u32 s11, $0x6;
	s10 =	sadd.s32 s10, s3;
	s13 =	sshrl.u32 s13, $0x3  }
0x10: {  	s7 =	sshrl.u32 s7, $0x3;
	s12 =	smax.u32 s12, $0x1;
	s9 =	sadd.s32 s6, s1  }
0x11: {  	s1 =	sadd.s32 s7, s1;
	s6 =	sadd.s32 s0, s26;
	s7 =	sor.u32 $0x1C01, s5  }
0x12: {  	s26 =	simm.s32 $0x6800;
	s0 =	simm.s32 $0x4F80;
	s8 =	sadd.s32 $0xBC00, s9  }
0x13: {  	v0 =	vimm.f32 $0.0e+00;
	s9 =	sadd.s32 $0x1600, s9;
	s11 =	sadd.s32 $0x15C00, s1;
	s1 =	simm.s32 $0x0  }
.LBB2_1:
0x14: {  	[spmem:s13], [sflag:s7] =	dma.local [hbm:s6], $0x4F0  }
0x15: {  	[tilespmem:s4], [sflag:$0x2] =	stream.linear.gather [hbm4b:s8+s4], $0x2800, $0x38;
	[tilespmem:$0xE680] =	vst v63  }
0x16: {  	s14 =	simm.s32 $0x2800  }
0x17: {  	[tilespmem:s14], [sflag:$0x3] =	stream.linear.gather [hbm4b:s9+s4], $0x2800, $0x38;
	[tilespmem:$0xE680] =	vst v63  }
0x18: {  	s15 =	simm.s32 $0x0;
	s14 =	simm.s32 $0x40  }
.LBB2_2:
0x19: {  	p0 =	sne.s32 s14, $0x9DC0;
	[tilespmem:s15+$0x7000] =	vst v0;
	s15 =	smov.u32 s14;
	s14 =	sadd.s32 $0x40, s14  }
.Ltmp0:
0x1a: {  	(pc) =	sbr.rel @p0 .LBB2_2-.Ltmp0, $2  }
0x1b: {  	_ =	sdelay $0x2  }
0x1c: {  	s15 =	sshra.s32 s15, $0x2  }
0x1d: {  	[tilespmem:s15+$0x7000] =	vst v0;
	s14 =	simm.s32 $0x7000  }
0x1e: {  	[spmem:s10] =	stream.linear.scatter [tilespmem:s14], [sflag:$0x5], $0x2780, $0x38;
	[tilespmem:$0xE680] =	vst v63  }
0x1f: {  	_ =	swait.ge [sflag:s16], $0x2780  }
0x20: {  	[sflag:s16] =	ssyncset.done $0x0  }
0x21: {  	[sflag:s16] =	ssyncadd.s32 $0xFFFFD880  }
0x22: {  	_ =	swait.ge [sflag:s17], $0x4F0  }
0x23: {  	[sflag:s17] =	ssyncset.done $0x0  }
0x24: {  	[sflag:s17] =	ssyncadd.s32 $0xFFFFFB10  }
0x25: {  	_ =	swait.ge [sflag:s18], $0x2800  }
0x26: {  	[sflag:s18] =	ssyncset.done $0x0  }
0x27: {  	[sflag:s18] =	ssyncadd.s32 $0xFFFFD800  }
0x28: {  	_ =	swait.ge [sflag:s19], $0x2800  }
0x29: {  	[sflag:s19] =	ssyncset.done $0x0  }
0x2a: {  	[sflag:s19] =	ssyncadd.s32 $0xFFFFD800  }
0x2b: {  	s23 =	simm.s32 $0x0;
	[bflag:$0x0] =	sbarrier.arrive $0xFFFF  }
0x2c: {  	[tilespmem:s21], [sflag:$0x1] =	stream.indirect.gather [spmem:s2], $0x10, s23, s20, $0xb8;
	[tilespmem:$0xE680] =	vst v63  }
0x2d: {  	_ = 	snop  }
0x2e: {  	[tilespmem:s22], [sflag:$0x2] =	stream.indirect.gather [spmem:s2], $0x10, s20, s20, $0xb8;
	[tilespmem:$0xE680] =	vst v63  }
0x2f: {  	s15 =	simm.s32 $0x100  }
0x30: {  	[tilespmem:s24], [sflag:$0x3] =	stream.indirect.gather [spmem:s2], $0x10, s15, s20, $0xb8;
	[tilespmem:$0xE680] =	vst v63  }
0x31: {  	_ = 	snop  }
0x32: {  	[tilespmem:s26], [sflag:$0x4] =	stream.indirect.gather [spmem:s2], $0x10, s25, s20, $0xb8;
	[tilespmem:$0xE680] =	vst v63  }
0x33: {  	_ =	swait.ge [sflag:s17], $0x800  }
0x34: {  	[sflag:s17] =	ssyncset.done $0x0  }
0x35: {  	s23 =	simm.s32 $0x2800;
	[sflag:s17] =	ssyncadd.s32 $0xFFFFF800  }
0x36: {  	[spmem:s3] =	stream.indirect.scatter.add.f32 [tilespmem:s21], [sflag:$0x5], $0x10, s23, s20, $0xb8;
	[tilespmem:$0xE680] =	vst v63  }
0x37: {  	_ =	swait.ge [sflag:s16], $0x800  }
0x38: {  	[sflag:s16] =	ssyncset.done $0x0  }
0x39: {  	s15 =	simm.s32 $0x200;
	[sflag:s16] =	ssyncadd.s32 $0xFFFFF800  }
0x3a: {  	[tilespmem:s21], [sflag:$0x1] =	stream.indirect.gather [spmem:s2], $0x10, s15, s20, $0xb8;
	[tilespmem:$0xE680] =	vst v63  }
0x3b: {  	_ =	swait.ge [sflag:s18], $0x800  }
0x3c: {  	[sflag:s18] =	ssyncset.done $0x0  }
0x3d: {  	s23 =	simm.s32 $0x2880;
	[sflag:s18] =	ssyncadd.s32 $0xFFFFF800  }
0x3e: {  	[spmem:s3] =	stream.indirect.scatter.add.f32 [tilespmem:s22], [sflag:$0x5], $0x10, s23, s20, $0xb8;
	[tilespmem:$0xE680] =	vst v63  }
0x3f: {  	_ =	swait.ge [sflag:s16], $0x800  }
0x40: {  	[sflag:s16] =	ssyncset.done $0x0  }
0x41: {  	s15 =	simm.s32 $0x280;
	[sflag:s16] =	ssyncadd.s32 $0xFFFFF800  }
0x42: {  	[tilespmem:s22], [sflag:$0x2] =	stream.indirect.gather [spmem:s2], $0x10, s15, s20, $0xb8;
	[tilespmem:$0xE680] =	vst v63  }
0x43: {  	_ =	swait.ge [sflag:s19], $0x800  }
0x44: {  	[sflag:s19] =	ssyncset.done $0x0  }
0x45: {  	s23 =	simm.s32 $0x2900;
	[sflag:s19] =	ssyncadd.s32 $0xFFFFF800  }
0x46: {  	[spmem:s3] =	stream.indirect.scatter.add.f32 [tilespmem:s24], [sflag:$0x5], $0x10, s23, s20, $0xb8;
	[tilespmem:$0xE680] =	vst v63  }
0x47: {  	_ =	swait.ge [sflag:s16], $0x800  }
0x48: {  	[sflag:s16] =	ssyncset.done $0x0  }
0x49: {  	s15 =	simm.s32 $0x300;
	[sflag:s16] =	ssyncadd.s32 $0xFFFFF800  }
0x4a: {  	[tilespmem:s24], [sflag:$0x3] =	stream.indirect.gather [spmem:s2], $0x10, s15, s20, $0xb8;
	[tilespmem:$0xE680] =	vst v63  }
0x4b: {  	_ =	swait.ge [sflag:s28], $0x800  }
0x4c: {  	[sflag:s28] =	ssyncset.done $0x0  }
0x4d: {  	s23 =	simm.s32 $0x2980;
	[sflag:s28] =	ssyncadd.s32 $0xFFFFF800  }
0x4e: {  	[spmem:s3] =	stream.indirect.scatter.add.f32 [tilespmem:s26], [sflag:$0x5], $0x10, s23, s20, $0xb8;
	[tilespmem:$0xE680] =	vst v63  }
0x4f: {  	_ =	swait.ge [sflag:s16], $0x800  }
0x50: {  	[sflag:s16] =	ssyncset.done $0x0  }
0x51: {  	s14 =	simm.s32 $0x800;
	s15 =	simm.s32 $0x380;
	[sflag:s16] =	ssyncadd.s32 $0xFFFFF800  }
.LBB2_4:
0x52: {  	[tilespmem:s26], [sflag:$0x4] =	stream.indirect.gather [spmem:s2], $0x10, s15, s20, $0xb8;
	[tilespmem:$0xE680] =	vst v63  }
0x53: {  	s15 =	smov.u32 s14  }
0x54: {  	p0 =	sne.s32 s14, $0x9000;
	s14 =	sadd.s32 $0x800, s14;
	_ =	swait.ge [sflag:s17], $0x800  }
0x55: {  	s15 =	sshra.s32 s15, $0x2;
	[sflag:s17] =	ssyncset.done $0x0  }
0x56: {  	s23 =	sadd.s32 $0x2800, s15;
	[sflag:s17] =	ssyncadd.s32 $0xFFFFF800  }
0x57: {  	[spmem:s3] =	stream.indirect.scatter.add.f32 [tilespmem:s21], [sflag:$0x5], $0x10, s23, s20, $0xb8;
	[tilespmem:$0xE680] =	vst v63  }
0x58: {  	_ =	swait.ge [sflag:s16], $0x800  }
0x59: {  	[sflag:s16] =	ssyncset.done $0x0  }
0x5a: {  	s23 =	sadd.s32 $0x200, s15;
	[sflag:s16] =	ssyncadd.s32 $0xFFFFF800  }
0x5b: {  	[tilespmem:s21], [sflag:$0x1] =	stream.indirect.gather [spmem:s2], $0x10, s23, s20, $0xb8;
	[tilespmem:$0xE680] =	vst v63  }
0x5c: {  	_ =	swait.ge [sflag:s18], $0x800  }
0x5d: {  	[sflag:s18] =	ssyncset.done $0x0  }
0x5e: {  	s23 =	sadd.s32 $0x2880, s15;
	[sflag:s18] =	ssyncadd.s32 $0xFFFFF800  }
0x5f: {  	[spmem:s3] =	stream.indirect.scatter.add.f32 [tilespmem:s22], [sflag:$0x5], $0x10, s23, s20, $0xb8;
	[tilespmem:$0xE680] =	vst v63  }
0x60: {  	_ =	swait.ge [sflag:s16], $0x800  }
0x61: {  	[sflag:s16] =	ssyncset.done $0x0  }
0x62: {  	s23 =	sadd.s32 $0x280, s15;
	[sflag:s16] =	ssyncadd.s32 $0xFFFFF800  }
0x63: {  	[tilespmem:s22], [sflag:$0x2] =	stream.indirect.gather [spmem:s2], $0x10, s23, s20, $0xb8;
	[tilespmem:$0xE680] =	vst v63  }
0x64: {  	_ =	swait.ge [sflag:s19], $0x800  }
0x65: {  	[sflag:s19] =	ssyncset.done $0x0  }
0x66: {  	s23 =	sadd.s32 $0x2900, s15;
	[sflag:s19] =	ssyncadd.s32 $0xFFFFF800  }
0x67: {  	[spmem:s3] =	stream.indirect.scatter.add.f32 [tilespmem:s24], [sflag:$0x5], $0x10, s23, s20, $0xb8;
	[tilespmem:$0xE680] =	vst v63  }
0x68: {  	_ =	swait.ge [sflag:s16], $0x800  }
0x69: {  	[sflag:s16] =	ssyncset.done $0x0  }
0x6a: {  	s23 =	sadd.s32 $0x300, s15;
	[sflag:s16] =	ssyncadd.s32 $0xFFFFF800  }
0x6b: {  	[tilespmem:s24], [sflag:$0x3] =	stream.indirect.gather [spmem:s2], $0x10, s23, s20, $0xb8;
	[tilespmem:$0xE680] =	vst v63  }
0x6c: {  	_ =	swait.ge [sflag:s28], $0x800  }
0x6d: {  	[sflag:s28] =	ssyncset.done $0x0  }
.Ltmp1:
0x6e: {  	s23 =	sadd.s32 $0x2980, s15;
	[sflag:s28] =	ssyncadd.s32 $0xFFFFF800;
	(pc) =	sbr.rel @p0 .LBB2_4-.Ltmp1, $4  }
0x6f: {  	[spmem:s3] =	stream.indirect.scatter.add.f32 [tilespmem:s26], [sflag:$0x5], $0x10, s23, s20, $0xb8;
	[tilespmem:$0xE680] =	vst v63  }
0x70: {  	_ =	swait.ge [sflag:s16], $0x800  }
0x71: {  	[sflag:s16] =	ssyncset.done $0x0  }
0x72: {  	s15 =	sadd.s32 $0x380, s15;
	[sflag:s16] =	ssyncadd.s32 $0xFFFFF800  }
0x73: {  	[tilespmem:s26], [sflag:$0x4] =	stream.indirect.gather [spmem:s2], $0x10, s15, s20, $0xb8;
	[tilespmem:$0xE680] =	vst v63  }
0x74: {  	_ =	swait.ge [sflag:s17], $0x800  }
0x75: {  	[sflag:s17] =	ssyncset.done $0x0  }
0x76: {  	[sflag:s17] =	ssyncadd.s32 $0xFFFFF800  }
0x77: {  	[spmem:s3] =	stream.indirect.scatter.add.f32 [tilespmem:s21], [sflag:$0x5], $0x10, s29, s20, $0xb8;
	[tilespmem:$0xE680] =	vst v63  }
0x78: {  	_ =	swait.ge [sflag:s16], $0x800  }
0x79: {  	[sflag:s16] =	ssyncset.done $0x0  }
0x7a: {  	[sflag:s16] =	ssyncadd.s32 $0xFFFFF800  }
0x7b: {  	_ =	swait.ge [sflag:s18], $0x800  }
0x7c: {  	[sflag:s18] =	ssyncset.done $0x0  }
0x7d: {  	[sflag:s18] =	ssyncadd.s32 $0xFFFFF800  }
0x7e: {  	[spmem:s3] =	stream.indirect.scatter.add.f32 [tilespmem:s22], [sflag:$0x5], $0x10, s30, s20, $0xb8;
	[tilespmem:$0xE680] =	vst v63  }
0x7f: {  	_ =	swait.ge [sflag:s16], $0x800  }
0x80: {  	[sflag:s16] =	ssyncset.done $0x0  }
0x81: {  	[sflag:s16] =	ssyncadd.s32 $0xFFFFF800  }
0x82: {  	_ =	swait.ge [sflag:s19], $0x800  }
0x83: {  	[sflag:s19] =	ssyncset.done $0x0  }
0x84: {  	[sflag:s19] =	ssyncadd.s32 $0xFFFFF800  }
0x85: {  	[spmem:s3] =	stream.indirect.scatter.add.f32 [tilespmem:s24], [sflag:$0x5], $0x10, s31, s20, $0xb8;
	[tilespmem:$0xE680] =	vst v63  }
0x86: {  	_ =	swait.ge [sflag:s16], $0x800  }
0x87: {  	[sflag:s16] =	ssyncset.done $0x0  }
0x88: {  	[sflag:s16] =	ssyncadd.s32 $0xFFFFF800  }
0x89: {  	_ =	swait.ge [sflag:s28], $0x800  }
0x8a: {  	[sflag:s28] =	ssyncset.done $0x0  }
0x8b: {  	[sflag:s28] =	ssyncadd.s32 $0xFFFFF800  }
0x8c: {  	[spmem:s3] =	stream.indirect.scatter.add.f32 [tilespmem:s26], [sflag:$0x5], $0x10, s0, s20, $0xb8;
	[tilespmem:$0xE680] =	vst v63  }
0x8d: {  	_ =	swait.ge [sflag:s16], $0x800  }
0x8e: {  	s1 =	sadd.s32 $0x1, s1;
	[sflag:s16] =	ssyncset.done $0x0  }
0x8f: {  	s14 =	sor.u32 $0x1C05, s5;
	p0 =	sne.s32 s1, s12;
	[sflag:s16] =	ssyncadd.s32 $0xFFFFF800  }
.Ltmp2:
0x90: {  	s23 =	sshrl.u32 s10, $0x3;
	[bflag:$0x0] =	sbarrier.arrive $0xFFFF;
	(pc) =	sbr.rel @p0 .LBB2_1-.Ltmp2, $4  }
0x91: {  	[hbm:s11], [sflag:s14] =	dma.local [spmem:s23], $0x4F0  }
0x92: {  	_ =	swait.ge [sflag:s16], $0x4F0  }
0x93: {  	[sflag:s16] =	ssyncset.done $0x0  }
0x94: {  	[sflag:s16] =	ssyncadd.s32 $0xFFFFFB10  }
0x95: {  	_ =	sfence.sel $0x180000  }
0x96: {  	[bflag:$0x0] =	sbarrier.arrive $0xFFFF  }
0x97: {  	_ =	strace $0x9000004D  }
0x98: {  	s0 =	stileid.u32;
	[bflag:$0x2] =	sbarrier.arrive $0xFFFF  }
0x99: {  	p0 =	sne.s32 s0, $0x0;
	s0 =	rddreg [dreg:$0x4]  }
0x9a: {  	s0 =	sadd.s32 @!p0 $0x100000, s0  }
0x9b: {  	[sflag:s0] =	ssyncadd.tile.s32 @!p0 $0x1;
	_ =	shalt  }
.Lfunc_end2:
_tile_overlayer_lowered:
.L_overlay_start_2:
0x9c: {  	(tag) =	ssettag $0x2  }
0x9d: {  	s0 =	rddreg [dreg:$0x0];
	s2 =	stileid.u32  }
0x9e: {  	s1 =	rddreg [dreg:$0x1];
	p0 =	sne.s32 s2, $0x0  }
0x9f: {  	s3 =	rddreg [dreg:$0x2];
	[bflag:$0x3] =	sbarrier.arrive $0xFFFF;
	s2 =	simm.s32 @!p0 $0x1C05  }
0xa0: {  	[timem:s3], [sflag:s2] =	dma.local @!p0 [hbm:s0], s1  }
0xa1: {  	s0 =	simm.s32 @!p0 $0x5  }
0xa2: {  	_ =	swait.ge @!p0 [sflag:s0], s1  }
0xa3: {  	s1 =	ssub.s32 @!p0 $0x0, s1;
	[sflag:s0] =	ssyncset.done @!p0 $0x0  }
0xa4: {  	[sflag:s0] =	ssyncadd.s32 @!p0 s1  }
0xa5: {  	[bflag:$0x3] =	sbarrier.arrive $0xFFFF  }
0xa6: {  	_ =	shalt  }

// kernel: kernel.8.cloned.1.call-start
scs
__scs_entry_jumppad:
0x0: {  	(pc) =	sbr.rel $0x88, $3  }
0x1: {  	(tag) =	ssettag $0x0;
	lr =	simm.s32 $0x1  }
0x2: {  	[smem:$0x3F9B] =	sst lr;
	_ =	strace $0xD0000000  }
0x3: {  	_ = 	snop  }
0x4: {  	_ = 	snop  }
0x5: {  	_ = 	snop  }
0x6: {  	_ = 	snop  }
0x7: {  	_ = 	snop  }
__scs_overlays_trampoline_lowered:
0x8: {  	[smem:$0x3FAA] =	sst s0  }
0x9: {  	[smem:$0x3FAB] =	sst s1  }
0xa: {  	[smem:$0x3FAC] =	sst s2  }
0xb: {  	[smem:$0x3FAD] =	sst s3  }
0xc: {  	[smem:$0x3FAE] =	sst s4  }
0xd: {  	[smem:$0x3FAF] =	sst s5  }
0xe: {  	[smem:$0x3FB0] =	sst s6  }
0xf: {  	[smem:$0x3FB1] =	sst s7  }
0x10: {  	[smem:$0x3FB2] =	sst s8  }
0x11: {  	[smem:$0x3FB3] =	sst s9;
	s0 =	simm.s32 @!p0 $0x0  }
0x12: {  	s1 =	sld [smem:$0x3F99];
	s0 =	simm.s32 @p0 $0x1  }
0x13: {  	[smem:$0x3FB4] =	sst s0;
	s0 =	simm.s32 @!p1 $0x0  }
0x14: {  	s2 =	sld [smem:$0x3F98];
	s0 =	simm.s32 @p1 $0x1  }
0x15: {  	[smem:$0x3FB5] =	sst s0;
	s0 =	simm.s32 @!p2 $0x0  }
0x16: {  	s3 =	sld [smem:$0x3FDB];
	s0 =	simm.s32 @p2 $0x1  }
0x17: {  	s4 =	simm.s32 $0x1BF5;
	[smem:$0x3FB7] =	sst s0  }
0x18: {  	s0 =	sld [smem:$0x3F9A];
	_ =	swait.ge [sflag:s4], $0x0  }
0x19: {  	s7 =	sld [smem:$0x3F9B]  }
0x1a: {  	s8 =	sadd.s32 $0xFFFFE003, lr  }
0x1b: {  	s9 =	sadd.s32 $0xFFFFFEF7, lr;
	s5 =	simm.s32 $0xFFFFFFFF;
	p2 =	slt.u32 s8, $0xFFFFF086  }
0x1c: {  	p1 =	slt.u32 s9, $0xF7A;
	s5 =	simm.s32 @!p2 $0x0  }
0x1d: {  	s5 =	simm.s32 @p1 $0x1;
	p0 =	seq.s32 s7, s2  }
0x1e: {  	s7 =	smul.u32 @!p0 $0xF7A, s2;
	p2 =	seq.s32 @!p0 s5, $0x0  }
0x1f: {  	s9 =	smul.u32 $0xF7A, s1;
	s8 =	simm.s32 @!p0 $0x1BF5;
	p2 =	por !p2, p0  }
0x20: {  	[sflag:s8] =	ssyncset.s32 @!p0 $0xFFFFF086;
	s6 =	sadd.s32 @!p0 s3, s7;
	s7 =	simm.s32 @!p0 $0x108  }
0x21: {  	s3 =	sadd.s32 s3, s9;
	s6 =	sadd.s32 @!p0 $0x88, s6;
	s7 =	simm.s32 @p2 $0x1082  }
0x22: {  	[simem:s7], [sflag:s8] =	dma.local @!p0 [hbm:s6], $0xF7A  }
0x23: {  	s9 =	sor.u32 $0xD0000000, s2;
	s6 =	simm.s32 $0x108;
	_ =	swait.ge @!p0 [sflag:s8], $0x0  }
0x24: {  	s3 =	sadd.s32 $0x88, s3;
	s6 =	simm.s32 @!p1 $0x1082;
	[sflag:s4] =	ssyncset.s32 $0xFFFFF086  }
0x25: {  	[simem:s6], [sflag:s4] =	dma.local [hbm:s3], $0xF7A  }
0x26: {  	[smem:$0x3F9B] =	sst s1;
	(tag) =	ssettag s2;
	_ =	strace s9  }
0x27: {  	s1 =	sld [smem:$0x3FAB]  }
0x28: {  	s2 =	sld [smem:$0x3FAC]  }
0x29: {  	s4 =	sld [smem:$0x3FAE]  }
0x2a: {  	p0 =	seq.s32 s5, $0x0;
	s5 =	sld [smem:$0x3FAF]  }
0x2b: {  	s6 =	sld [smem:$0x3FB0]  }
0x2c: {  	s7 =	sld [smem:$0x3FB1]  }
0x2d: {  	s3 =	simm.s32 $0x108;
	s8 =	sld [smem:$0x3FB2]  }
0x2e: {  	s3 =	simm.s32 @!p0 $0x1082;
	s9 =	sld [smem:$0x3FB3]  }
0x2f: {  	lr =	sadd.s32 s0, s3;
	s0 =	sld [smem:$0x3FAA]  }
0x30: {  	s3 =	sld [smem:$0x3FAD]  }
0x31: {  	[smem:$0x3FB6] =	sst s10  }
0x32: {  	s10 =	sld [smem:$0x3FB4];
	_ =	sdelay $0x3  }
0x33: {  	p0 =	seq.s32 s10, $0x1;
	s10 =	sld [smem:$0x3FB6];
	_ =	sdelay $0x3  }
0x34: {  	[smem:$0x3FB6] =	sst s10  }
0x35: {  	s10 =	sld [smem:$0x3FB5];
	_ =	sdelay $0x3  }
0x36: {  	p1 =	seq.s32 s10, $0x1;
	s10 =	sld [smem:$0x3FB6];
	_ =	sdelay $0x3  }
0x37: {  	[smem:$0x3FB6] =	sst s10  }
0x38: {  	s10 =	sld [smem:$0x3FB7]  }
0x39: {  	_ = 	snop;
	(pc) =	sbr.ind lr, $3  }
0x3a: {  	_ = 	snop  }
0x3b: {  	_ = 	snop  }
0x3c: {  	p2 =	seq.s32 s10, $0x1;
	s10 =	sld [smem:$0x3FB6]  }
0x3d: {  	_ =	shalt  }
0x3e: {  	_ =	shalt  }
0x3f: {  	_ =	shalt  }
0x40: {  	_ =	shalt  }
0x41: {  	_ =	shalt  }
0x42: {  	_ =	shalt  }
0x43: {  	_ =	shalt  }
0x44: {  	_ =	shalt  }
0x45: {  	_ =	shalt  }
0x46: {  	_ =	shalt  }
0x47: {  	_ =	shalt  }
0x48: {  	_ =	shalt  }
0x49: {  	_ =	shalt  }
0x4a: {  	_ =	shalt  }
0x4b: {  	_ =	shalt  }
0x4c: {  	_ =	shalt  }
0x4d: {  	_ =	shalt  }
0x4e: {  	_ =	shalt  }
0x4f: {  	_ =	shalt  }
0x50: {  	_ =	shalt  }
0x51: {  	_ =	shalt  }
0x52: {  	_ =	shalt  }
0x53: {  	_ =	shalt  }
0x54: {  	_ =	shalt  }
0x55: {  	_ =	shalt  }
0x56: {  	_ =	shalt  }
0x57: {  	_ =	shalt  }
0x58: {  	_ =	shalt  }
0x59: {  	_ =	shalt  }
0x5a: {  	_ =	shalt  }
0x5b: {  	_ =	shalt  }
0x5c: {  	_ =	shalt  }
0x5d: {  	_ =	shalt  }
0x5e: {  	_ =	shalt  }
0x5f: {  	_ =	shalt  }
0x60: {  	_ =	shalt  }
0x61: {  	_ =	shalt  }
0x62: {  	_ =	shalt  }
0x63: {  	_ =	shalt  }
0x64: {  	_ =	shalt  }
0x65: {  	_ =	shalt  }
0x66: {  	_ =	shalt  }
0x67: {  	_ =	shalt  }
0x68: {  	_ =	shalt  }
0x69: {  	_ =	shalt  }
0x6a: {  	_ =	shalt  }
0x6b: {  	_ =	shalt  }
0x6c: {  	_ =	shalt  }
0x6d: {  	_ =	shalt  }
0x6e: {  	_ =	shalt  }
0x6f: {  	_ =	shalt  }
0x70: {  	_ =	shalt  }
0x71: {  	_ =	shalt  }
0x72: {  	_ =	shalt  }
0x73: {  	_ =	shalt  }
0x74: {  	_ =	shalt  }
0x75: {  	_ =	shalt  }
0x76: {  	_ =	shalt  }
0x77: {  	_ =	shalt  }
0x78: {  	_ =	shalt  }
0x79: {  	_ =	shalt  }
0x7a: {  	_ =	shalt  }
0x7b: {  	_ =	shalt  }
0x7c: {  	_ =	shalt  }
0x7d: {  	_ =	shalt  }
0x7e: {  	_ =	shalt  }
0x7f: {  	_ =	shalt  }
0x80: {  	_ =	shalt  }
0x81: {  	_ =	shalt  }
0x82: {  	_ =	shalt  }
0x83: {  	_ =	shalt  }
0x84: {  	_ =	shalt  }
0x85: {  	_ =	shalt  }
0x86: {  	_ =	shalt  }
0x87: {  	_ =	shalt  }
.Lfunc_end0:
.L_simem_size_0:
called_computation_lowered:
.L_overlay_start_0:
0x88: {  	s2 =	sld [smem:$0x3FD9]  }
0x89: {  	s3 =	sld [smem:$0x3FFE];
	_ =	sdelay $0x1  }
0x8a: {  	s1 =	srdreg.scid  }
0x8b: {  	s0 =	sand.u32 $0x1, s1  }
0x8c: {  	s17 =	sshll.u32 s0, $0xA;
	s2 =	sadd.s32 s3, s2  }
0x8d: {  	s2 =	sadd.s32 s2, s17  }
0x8e: {  	[smem:$0x3FC2] =	sst s2  }
0x8f: {  	_ = 	snop  }
0x90: {  	s2 =	sld [smem:$0x3FD0];
	(tm) =	ssettm $0x1  }
0x91: {  	s18 =	sld [smem:$0x3FFB];
	_ =	sdelay $0x3  }
0x92: {  	_ =	strace s18  }
0x93: {  	s3 =	sld [smem:$0x3FFC];
	_ =	sdelay $0x3  }
0x94: {  	_ =	strace s3  }
0x95: {  	s3 =	sld [smem:$0x3FFD];
	_ =	sdelay $0x3  }
0x96: {  	_ =	strace s3  }
0x97: {  	_ =	strace $0x8FFFFFFF  }
0x98: {  	s19 =	sld [smem:$0x3FDB];
	_ =	sdelay $0x1  }
0x99: {  	s4 =	simm.s32 $_scs_section_size  }
0x9a: {  	s5 =	simm.s32 $_size__tile_overlayer_lowered;
	s6 =	simm.s32 $_tile_overlayer_lowered  }
0x9b: {  	s22 =	simm.s32 $0x1BFF;
	s21 =	sshll.u32 s6, $0x1;
	s3 =	sadd.s32 s4, s19  }
0x9c: {  	s7 =	simm.s32 $0x0;
	s20 =	sshll.u32 s5, $0x1;
	s5 =	sadd.s32 s21, s3  }
0x9d: {  	[timem:s7], [sflag:s22] =	dma.local [hbm:s5], s20  }
0x9e: {  	_ =	swait.ge [sflag:s22], s20  }
0x9f: {  	s4 =	ssub.s32 $0x0, s20;
	[sflag:s22] =	ssyncset.done $0x0  }
0xa0: {  	[sflag:s22] =	ssyncadd.s32 s4;
	_ =	sdelay $0x1  }
0xa1: {  	s23 =	simm.s32 $0x1B8B  }
0xa2: {  	_ =	swait.ge [sflag:s23], $0x1  }
0xa3: {  	[sflag:s23] =	ssyncset.done $0x0  }
0xa4: {  	s25 =	simm.s32 $0x1B8E;
	s24 =	sld [smem:$0x3FFE];
	[sflag:s23] =	ssyncadd.s32 $0xFFFFFFFF  }
0xa5: {  	s26 =	simm.s32 $execute0_lowered;
	[smem:$0x3FD2] =	sst s25  }
0xa6: {  	s5 =	sshll.u32 s26, $0x1;
	_ =	strace $0x80000046;
	[dreg:$0x1] =	wrdreg $0xFFFFFFFF  }
0xa7: {  	s28 =	simm.s32 $_size_execute0_lowered;
	s3 =	sadd.s32 s3, s5;
	[dreg:$0x0] =	wrdreg $0x0  }
0xa8: {  	s5 =	sshll.u32 s28, $0x1;
	[dreg:$0x2] =	wrdreg s3  }
0xa9: {  	[dreg:$0x3] =	wrdreg s5  }
0xaa: {  	[dreg:$0x4] =	wrdreg $0xC0  }
0xab: {  	_ =	task [dreg:s7], $0x5FFFF  }
0xac: {  	[dreg:$0x1] =	wrdreg $0xFFFFFFFF  }
0xad: {  	[dreg:$0x0] =	wrdreg $0x60  }
0xae: {  	[dreg:$0x2] =	wrdreg s24  }
0xaf: {  	[dreg:$0x3] =	wrdreg s2  }
0xb0: {  	[dreg:$0x4] =	wrdreg $0x2C000  }
0xb1: {  	[dreg:$0x5] =	wrdreg $0x9  }
0xb2: {  	_ =	task.clear_ibuf [dreg:s7], $0x6FFFF;
	_ =	strace $0x90000046  }
0xb3: {  	s29 =	simm.s32 $0x9;
	_ =	strace $0x80000048  }
0xb4: {  	_ =	swait.ge [sflag:s29], $0x1  }
0xb5: {  	[sflag:s29] =	ssyncadd.s32 $0xFFFFFFFF  }
0xb6: {  	_ =	strace $0x90000048  }
0xb7: {  	_ =	sfence  }
0xb8: {  	s30 =	sld [smem:$0x0];
	_ =	sdelay $0x2  }
0xb9: {  	s31 =	sshll.u32 s1, $0xD;
	s1 =	sshrl.u32 s1, $0x2  }
0xba: {  	s3 =	sand.u32 $0x4000, s31;
	s1 =	sadd.s32 s1, s30  }
0xbb: {  	s0 =	sor.u32 s3, s0;
	s1 =	sshll.u32 s1, $0x11  }
0xbc: {  	s0 =	sor.u32 s1, s0  }
0xbd: {  	s0 =	sadd.s32 $0x8F2B, s0  }
0xbe: {  	[sflag:s0] =	ssyncadd.remote.s32 $0x1  }
0xbf: {  	_ =	sfence.sel $0xFFFF  }
0xc0: {  	[dreg:$0x0] =	wrdreg $0xFFFFFFFF;
	(pc) =	sbr.abs _section_cstart, $3  }
0xc1: {  	[dreg:$0x1] =	wrdreg $0xFFFFFFFF  }
0xc2: {  	_ =	task.clear_ibuf [dreg:s7], $0x2FFFF;
	_ =	strace $0x9FFFFFFF  }
0xc3: {  	(tm) =	ssettm $0x7FFFFFFF  }
tec
execute0_lowered:
.L_overlay_start_1:
0x0: {  	(tag) =	ssettag $0x1  }
0x1: {  	s5 =	rddreg [dreg:$0x0]  }
0x2: {  	s0 =	srdreg.scid;
	s8 =	rddreg [dreg:$0x1]  }
0x3: {  	s2 =	rddreg [dreg:$0x2];
	s1 =	stileid.u32;
	s3 =	simm.s32 $0x0  }
0x4: {  	s13 =	simm.s32 $0x1;
	s14 =	simm.s32 $0x2;
	s15 =	simm.s32 $0x80  }
0x5: {  	s16 =	simm.s32 $0x0;
	s4 =	sand.u32 $0x1, s0;
	s0 =	rddreg [dreg:$0x3]  }
0x6: {  	[smem:$0x7FF] =	sst s3;
	s9 =	smul.u32 $0x13C0, s1;
	s30 =	sshll.u32 s1, $0x6  }
0x7: {  	s6 =	sshll.u32 s4, $0x4;
	_ =	strace $0x80000047;
	s7 =	ssub.s32 $0x2, s4  }
0x8: {  	s11 =	smul.u32 $0x13C00, s4;
	s4 =	sadd.s32 $0xB600, s5;
	s6 =	sor.u32 s1, s6  }
0x9: {  	s10 =	sshrl.u32 s7, $0x1;
	s12 =	sadd.s32 s9, s2;
	s6 =	smul.u32 $0x500, s6  }
0xa: {  	s10 =	ssub.s32 s7, s10;
	s11 =	sadd.s32 s9, s11;
	s7 =	sor.u32 $0x1C03, s30  }
0xb: {  	s31 =	sshrl.u32 s11, $0x3;
	s9 =	smax.u32 s10, $0x1;
	s10 =	simm.s32 $0x2800  }
0xc: {  	s11 =	sshrl.u32 s12, $0x3;
	s12 =	simm.s32 $0x3;
	s6 =	sadd.s32 s6, s5  }
0xd: {  	s5 =	sadd.s32 $0xB800, s5;
	s8 =	sadd.s32 s8, s31;
	s6 =	sadd.s32 $0x1600, s6  }
.LBB2_1:
0xe: {  	[tilespmem:s10], [sflag:$0x1] =	stream.linear.gather [hbm4b:s4+s3], $0x400, $0x38;
	[tilespmem:$0x3FC0] =	vst v63  }
0xf: {  	_ = 	snop  }
0x10: {  	[tilespmem:s3], [sflag:$0x2] =	stream.linear.gather [hbm4b:s6+s3], $0x2800, $0x38;
	[tilespmem:$0x3FC0] =	vst v63  }
0x11: {  	[spmem:s11], [sflag:s7] =	dma.local [hbm:s5], $0x278  }
0x12: {  	_ =	swait.ge [sflag:s12], $0x278  }
0x13: {  	[sflag:s12] =	ssyncset.done $0x0  }
0x14: {  	[sflag:s12] =	ssyncadd.s32 $0xFFFFFD88  }
0x15: {  	_ =	swait.ge [sflag:s13], $0x400  }
0x16: {  	[sflag:s13] =	ssyncset.done $0x0  }
0x17: {  	[sflag:s13] =	ssyncadd.s32 $0xFFFFFC00  }
0x18: {  	_ =	swait.ge [sflag:s14], $0x2800  }
0x19: {  	[sflag:s14] =	ssyncset.done $0x0  }
0x1a: {  	[sflag:s14] =	ssyncadd.s32 $0xFFFFD800  }
0x1b: {  	s17 =	simm.s32 $0x0;
	[bflag:$0x0] =	sbarrier.arrive $0xFFFF  }
0x1c: {  	[spmem:s2] =	stream.indirect.scatter.add.f32 [tilespmem:s10], [sflag:$0x3], $0x8, s17, s15, $0xb8;
	[tilespmem:$0x3FC0] =	vst v63  }
0x1d: {  	_ =	swait.ge [sflag:s12], $0x400  }
0x1e: {  	s17 =	simm.s32 $0x200;
	[sflag:s12] =	ssyncset.done $0x0  }
.LBB2_2:
0x1f: {  	s18 =	sshra.s32 s17, $0x2;
	[sflag:s12] =	ssyncadd.s32 $0xFFFFFC00;
	p0 =	sne.s32 s17, $0x9E00  }
0x20: {  	[spmem:s2] =	stream.indirect.scatter.add.f32 [tilespmem:s10], [sflag:$0x3], $0x8, s18, s15, $0xb8;
	[tilespmem:$0x3FC0] =	vst v63  }
.Ltmp0:
0x21: {  	_ = 	snop;
	(pc) =	sbr.rel @p0 .LBB2_2-.Ltmp0, $4  }
0x22: {  	_ = 	snop  }
0x23: {  	s17 =	sadd.s32 $0x200, s17  }
0x24: {  	_ =	swait.ge [sflag:s12], $0x400  }
0x25: {  	[sflag:s12] =	ssyncset.done $0x0  }
0x26: {  	s16 =	sadd.s32 $0x1, s16  }
0x27: {  	[sflag:s12] =	ssyncadd.s32 $0xFFFFFC00;
	p0 =	sne.s32 s16, s9  }
.Ltmp1:
0x28: {  	[bflag:$0x0] =	sbarrier.arrive $0xFFFF;
	(pc) =	sbr.rel @p0 .LBB2_1-.Ltmp1, $4  }
0x29: {  	[hbm:s8], [sflag:s7] =	dma.local [spmem:s11], $0x278  }
0x2a: {  	_ =	swait.ge [sflag:s12], $0x278  }
0x2b: {  	[sflag:s12] =	ssyncset.done $0x0  }
0x2c: {  	[sflag:s12] =	ssyncadd.s32 $0xFFFFFD88  }
0x2d: {  	_ =	sfence.sel $0x180000  }
0x2e: {  	[bflag:$0x0] =	sbarrier.arrive $0xFFFF  }
0x2f: {  	p0 =	sne.s32 s1, $0x0;
	_ =	strace $0x90000047  }
0x30: {  	s0 =	sadd.s32 @!p0 $0x100000, s0;
	[bflag:$0x2] =	sbarrier.arrive $0xFFFF  }
0x31: {  	[sflag:s0] =	ssyncadd.tile.s32 @!p0 $0x1;
	_ =	shalt  }
.Lfunc_end2:
_tile_overlayer_lowered:
.L_overlay_start_2:
0x32: {  	(tag) =	ssettag $0x2  }
0x33: {  	s0 =	rddreg [dreg:$0x0];
	s2 =	stileid.u32  }
0x34: {  	s1 =	rddreg [dreg:$0x1];
	p0 =	sne.s32 s2, $0x0  }
0x35: {  	s3 =	rddreg [dreg:$0x2];
	[bflag:$0x3] =	sbarrier.arrive $0xFFFF;
	s2 =	simm.s32 @!p0 $0x1C03  }
0x36: {  	[timem:s3], [sflag:s2] =	dma.local @!p0 [hbm:s0], s1  }
0x37: {  	s0 =	simm.s32 @!p0 $0x3  }
0x38: {  	_ =	swait.ge @!p0 [sflag:s0], s1  }
0x39: {  	s1 =	ssub.s32 @!p0 $0x0, s1;
	[sflag:s0] =	ssyncset.done @!p0 $0x0  }
0x3a: {  	[sflag:s0] =	ssyncadd.s32 @!p0 s1  }
0x3b: {  	[bflag:$0x3] =	sbarrier.arrive $0xFFFF  }
0x3c: {  	_ =	shalt  }

</sc_bundles>
